<compile_context>
chip_gen: v7x
topology: tpu7x:2x2x1
jax: 0.10.2.dev20260603
libtpu: 0.0.44.dev20260713+nightly
codegen_flags: <defaults>
</compile_context>

<pallas_src>
import functools

import jax
import jax.numpy as jnp
from jax import lax
from jax.experimental import pallas as pl
from jax.experimental.pallas import tpu as pltpu
from jax.experimental.pallas import tpu_sc as plsc

_BATCH = 16384
_K = 32
_NC = 2
_NS = 16
_NW = _NC * _NS
_CHUNK = _BATCH // _NW
_IDX_BLKS = _CHUNK // 128
_LANES = 16
_NBLK = _CHUNK // _LANES


def _mf_body(x_hbm, w_hbm, h_hbm, out_hbm, xv, uidx, iidx, uv, vv, outv, sem):
    wid = lax.axis_index("s") * _NC + lax.axis_index("c")
    base = wid * _CHUNK

    pltpu.sync_copy(x_hbm.at[pl.ds(base, _CHUNK)], xv)

    lanes = lax.iota(jnp.int32, _LANES)
    zeros = jnp.zeros((_LANES,), jnp.int32)
    ones = jnp.ones((_LANES,), jnp.int32)

    def deinterleave(b, _):
        rows = lanes + b * _LANES
        j = b // 8
        o = (b % 8) * _LANES
        uidx[j, pl.ds(o, _LANES)] = plsc.load_gather(xv, [rows, zeros])
        iidx[j, pl.ds(o, _LANES)] = plsc.load_gather(xv, [rows, ones])
        return 0

    lax.fori_loop(0, _NBLK, deinterleave, 0)

    handles = []
    for j in range(_IDX_BLKS):
        handles.append(
            pltpu.async_copy(w_hbm.at[uidx.at[j]], uv.at[pl.ds(j * 128, 128)], sem))
    for j in range(_IDX_BLKS):
        handles.append(
            pltpu.async_copy(h_hbm.at[iidx.at[j]], vv.at[pl.ds(j * 128, 128)], sem))
    for h in handles:
        h.wait()

    def compute(b, _):
        rows = lanes + b * _LANES
        acc = jnp.zeros((_LANES,), jnp.float32)
        for k in range(_K):
            ck = jnp.full((_LANES,), k, jnp.int32)
            acc += plsc.load_gather(uv, [rows, ck]) * plsc.load_gather(vv, [rows, ck])
        outv[pl.ds(b * _LANES, _LANES)] = 1.0 / (1.0 + jnp.exp(-acc))
        return 0

    lax.fori_loop(0, _NBLK, compute, 0)

    pltpu.sync_copy(outv, out_hbm.at[pl.ds(base, _CHUNK)])


_mf = functools.partial(
    pl.kernel,
    out_type=jax.ShapeDtypeStruct((_BATCH,), jnp.float32),
    mesh=plsc.VectorSubcoreMesh(core_axis_name="c", subcore_axis_name="s"),
    scratch_types=[
        pltpu.VMEM((_CHUNK, 2), jnp.int32),
        pltpu.VMEM((_IDX_BLKS, 128), jnp.int32),
        pltpu.VMEM((_IDX_BLKS, 128), jnp.int32),
        pltpu.VMEM((_CHUNK, _K), jnp.float32),
        pltpu.VMEM((_CHUNK, _K), jnp.float32),
        pltpu.VMEM((_CHUNK,), jnp.float32),
        pltpu.SemaphoreType.DMA,
    ],
    compiler_params=pltpu.CompilerParams(
        needs_layout_passes=False, use_tc_tiling_on_sc=False),
)(_mf_body)


@jax.jit
def kernel(x, W, H):
    return _mf(x.astype(jnp.int32), W, H)

# --- scband reference (transcript-rebuilt; emitter-appended) ---
"""Pipeline reference for scband-mf-7808250544647 (READ-ONLY COPY).

The authoritative reference and input builder live on the scoring server;
editing this copy changes nothing except your own understanding.
"""

import jax, jax.numpy as jnp
import numpy as np

NUM_USERS = 1000000
NUM_ITEMS = 1000000
EMBED_K = 32
BATCH = 16384

def setup_inputs(seed: int = 0) -> dict:
    key = jax.random.key(seed)
    k1, k2, k3 = jax.random.split(key, 3)
    x = jax.random.randint(k1, (BATCH, 2), 0, NUM_USERS, dtype=jnp.int64) if jax.config.jax_enable_x64 else jax.random.randint(k1, (BATCH, 2), 0, NUM_USERS, dtype=jnp.int32)
    W = jax.random.normal(k2, (NUM_USERS, EMBED_K), dtype=jnp.float32)
    H = jax.random.normal(k3, (NUM_ITEMS, EMBED_K), dtype=jnp.float32)
    return {"x": x, "W": W, "H": H}

def reference(x, W, H):
    user_idx = x[:, 0]
    item_idx = x[:, 1]
    U_emb = jnp.take(W, user_idx, axis=0)
    V_emb = jnp.take(H, item_idx, axis=0)
    out = jax.nn.sigmoid(jnp.sum(U_emb * V_emb, axis=1))
    return out

if __name__ == "__main__":
    import jax
    _d = setup_inputs()
    print(jax.jit(kernel)(*tuple(_d.values())))

</pallas_src>

<mosaic_0001>
#map = affine_map<(d0, d1) -> (0, 0)>
#map1 = affine_map<(d0, d1) -> (0)>
module attributes {stable_mosaic.version = 14 : i64} {
  func.func @_mf_body(%arg0: i32, %arg1: i32, %arg2: memref<16384x2xi32, #tpu.memory_space<hbm>>, %arg3: memref<1000000x32xf32, #tpu.memory_space<hbm>>, %arg4: memref<1000000x32xf32, #tpu.memory_space<hbm>>, %arg5: memref<16384xf32, #tpu.memory_space<hbm>>, %arg6: memref<512x2xi32, #tpu.memory_space<vmem>>, %arg7: memref<4x128xi32, #tpu.memory_space<vmem>>, %arg8: memref<4x128xi32, #tpu.memory_space<vmem>>, %arg9: memref<512x32xf32, #tpu.memory_space<vmem>>, %arg10: memref<512x32xf32, #tpu.memory_space<vmem>>, %arg11: memref<512xf32, #tpu.memory_space<vmem>>, %arg12: memref<!tpu.dma_semaphore, #tpu.memory_space<semaphore_mem>>) attributes {dimension_semantics = [#tpu.dimension_semantics<core_parallel>, #tpu.dimension_semantics<subcore_parallel>], iteration_bounds = array<i64: 2, 16>, scalar_prefetch = 0 : i64, scratch_operands = 7 : i64, tpu.core_type = #tpu.core_type<sc_vector_subcore>, window_params = [{transform_indices = #map}, {transform_indices = #map}, {transform_indices = #map}, {transform_indices = #map1}]} {
    %mul3A = arith.constant 2 : i32
    %mul3A_0 = arith.muli %arg1, %mul3A : i32
    %add3A = arith.addi %mul3A_0, %arg0 : i32
    %mul3A_1 = arith.constant 512 : i32
    %mul3A_2 = arith.muli %add3A, %mul3A_1 : i32
    "tpu.region"() ({
      %run_scoped3A = tpu.sem_alloc : memref<!tpu.dma_semaphore, #tpu.memory_space<semaphore_mem>>
      %dma_start3A_177 = arith.constant 0 : i32
      %dma_start3A_178 = tpu.memref_slice %arg2[%mul3A_2, %dma_start3A_177] : memref<16384x2xi32, #tpu.memory_space<hbm>> -> memref<512x2xi32, #tpu.memory_space<hbm>>
      %dma_start3A_179 = arith.constant 0 : i32
      %dma_start3A_180 = tpu.memref_slice %arg2[%mul3A_2, %dma_start3A_179] : memref<16384x2xi32, #tpu.memory_space<hbm>> -> memref<512x2xi32, #tpu.memory_space<hbm>>
      tpu.enqueue_dma source(%dma_start3A_180 : memref<512x2xi32, #tpu.memory_space<hbm>>) target(%arg6 : memref<512x2xi32, #tpu.memory_space<vmem>>) target_semaphore(%run_scoped3A : memref<!tpu.dma_semaphore, #tpu.memory_space<semaphore_mem>>)
      %dma_wait3A_181 = arith.constant 0 : i32
      %dma_wait3A_182 = tpu.memref_slice %arg2[%mul3A_2, %dma_wait3A_181] : memref<16384x2xi32, #tpu.memory_space<hbm>> -> memref<512x2xi32, #tpu.memory_space<hbm>>
      %dma_wait3A_183 = arith.constant 0 : i32
      %dma_wait3A_184 = tpu.memref_slice %arg2[%mul3A_2, %dma_wait3A_183] : memref<16384x2xi32, #tpu.memory_space<hbm>> -> memref<512x2xi32, #tpu.memory_space<hbm>>
      tpu.wait_dma2 semaphore(%run_scoped3A : memref<!tpu.dma_semaphore, #tpu.memory_space<semaphore_mem>>) src(%dma_wait3A_184 : memref<512x2xi32, #tpu.memory_space<hbm>>) dst(%arg6 : memref<512x2xi32, #tpu.memory_space<vmem>>)
      tpu.yield
    }) : () -> ()
    %iota3A = tpu.iota {dimensions = array<i32: 0>} : vector<16xi32>
    %broadcast_in_dim3A = arith.constant 0 : i32
    %broadcast_in_dim3A_3 = vector.broadcast %broadcast_in_dim3A : i32 to vector<16xi32>
    %broadcast_in_dim3A_4 = arith.constant 1 : i32
    %broadcast_in_dim3A_5 = vector.broadcast %broadcast_in_dim3A_4 : i32 to vector<16xi32>
    %scan3A = arith.constant 0 : i32
    %scan3A_6 = arith.constant 0 : i32
    %scan3A_7 = arith.constant 32 : i32
    %scan3A_8 = arith.addi %scan3A_6, %scan3A_7 : i32
    %scan3A_9 = arith.constant 1 : i32
    %scan3A_10 = scf.for %scan3A_177 = %scan3A_6 to %scan3A_8 step %scan3A_9 iter_args(%scan3A_178 = %scan3A) -> (i32)  : i32 {
      %mul3A_179 = arith.constant 16 : i32
      %mul3A_180 = arith.muli %scan3A_177, %mul3A_179 : i32
      %add3A_181 = vector.broadcast %mul3A_180 : i32 to vector<16xi32>
      %add3A_182 = arith.addi %iota3A, %add3A_181 : vector<16xi32>
      %jit3A = arith.constant 8 : i32
      %div3A = arith.divsi %scan3A_177, %jit3A : i32
      %sign3A = arith.constant 0 : i32
      %sign3A_183 = arith.cmpi sgt, %scan3A_177, %sign3A : i32
      %sign3A_184 = arith.extui %sign3A_183 : i1 to i32
      %sign3A_185 = arith.constant 0 : i32
      %sign3A_186 = arith.cmpi slt, %scan3A_177, %sign3A_185 : i32
      %sign3A_187 = arith.extui %sign3A_186 : i1 to i32
      %sign3A_188 = arith.subi %sign3A_184, %sign3A_187 : i32
      %sign3A_189 = arith.constant 0 : i32
      %sign3A_190 = arith.cmpi sgt, %jit3A, %sign3A_189 : i32
      %sign3A_191 = arith.extui %sign3A_190 : i1 to i32
      %sign3A_192 = arith.constant 0 : i32
      %sign3A_193 = arith.cmpi slt, %jit3A, %sign3A_192 : i32
      %sign3A_194 = arith.extui %sign3A_193 : i1 to i32
      %sign3A_195 = arith.subi %sign3A_191, %sign3A_194 : i32
      %ne3A = arith.cmpi ne, %sign3A_188, %sign3A_195 : i32
      %rem3A = arith.remsi %scan3A_177, %jit3A : i32
      %ne3A_196 = arith.constant 0 : i32
      %ne3A_197 = arith.cmpi ne, %rem3A, %ne3A_196 : i32
      %and3A = arith.andi %ne3A, %ne3A_197 : i1
      %sub3A = arith.constant 1 : i32
      %sub3A_198 = arith.subi %div3A, %sub3A : i32
      %select_n3A = arith.select %and3A, %sub3A_198, %div3A : i32
      %jit3A_199 = arith.constant 8 : i32
      %eq3A = arith.constant 0 : i32
      %eq3A_200 = arith.cmpi eq, %jit3A_199, %eq3A : i32
      %jit3A_201 = arith.constant 1 : i32
      %select_n3A_202 = arith.select %eq3A_200, %jit3A_201, %jit3A_199 : i32
      %rem3A_203 = arith.remsi %scan3A_177, %select_n3A_202 : i32
      %ne3A_204 = arith.constant 0 : i32
      %ne3A_205 = arith.cmpi ne, %rem3A_203, %ne3A_204 : i32
      %lt3A = arith.constant 0 : i32
      %lt3A_206 = arith.cmpi slt, %rem3A_203, %lt3A : i32
      %lt3A_207 = arith.constant 0 : i32
      %lt3A_208 = arith.cmpi slt, %select_n3A_202, %lt3A_207 : i32
      %ne3A_209 = arith.xori %lt3A_206, %lt3A_208 : i1
      %and3A_210 = arith.andi %ne3A_209, %ne3A_205 : i1
      %add3A_211 = arith.addi %rem3A_203, %select_n3A_202 : i32
      %select_n3A_212 = arith.select %and3A_210, %add3A_211, %rem3A_203 : i32
      %mul3A_213 = arith.constant 16 : i32
      %mul3A_214 = arith.muli %select_n3A_212, %mul3A_213 : i32
      %gather3A = tpu.vector_load_idx %arg6[%add3A_182, %broadcast_in_dim3A_3] : memref<512x2xi32, #tpu.memory_space<vmem>>[vector<16xi32>, vector<16xi32>], vector<16xi32>,
      %swap3A = arith.index_cast %select_n3A : i32 to index
      %swap3A_215 = arith.index_cast %mul3A_214 : i32 to index
      %swap3A_216 = tpu.vector_load %arg7[%swap3A, %swap3A_215] {strides = array<i32>} : memref<4x128xi32, #tpu.memory_space<vmem>>, vector<16xi32>,
      tpu.vector_store %arg7[%swap3A, %swap3A_215], %gather3A {strides = array<i32>} : memref<4x128xi32, #tpu.memory_space<vmem>>, vector<16xi32>,
      %gather3A_217 = tpu.vector_load_idx %arg6[%add3A_182, %broadcast_in_dim3A_5] : memref<512x2xi32, #tpu.memory_space<vmem>>[vector<16xi32>, vector<16xi32>], vector<16xi32>,
      %swap3A_218 = arith.index_cast %select_n3A : i32 to index
      %swap3A_219 = arith.index_cast %mul3A_214 : i32 to index
      %swap3A_220 = tpu.vector_load %arg8[%swap3A_218, %swap3A_219] {strides = array<i32>} : memref<4x128xi32, #tpu.memory_space<vmem>>, vector<16xi32>,
      tpu.vector_store %arg8[%swap3A_218, %swap3A_219], %gather3A_217 {strides = array<i32>} : memref<4x128xi32, #tpu.memory_space<vmem>>, vector<16xi32>,
      %scan3A_221 = arith.constant 0 : i32
      scf.yield %scan3A_221 : i32
    }
    %scan3A_11 = arith.constant 32 : i32
    %dma_start3A = arith.constant 0 : i32
    %dma_start3A_12 = arith.constant 0 : i32
    %dma_start3A_13 = arith.constant 0 : i32
    %dma_start3A_14 = tpu.memref_slice %arg9[%dma_start3A_12, %dma_start3A_13] : memref<512x32xf32, #tpu.memory_space<vmem>> -> memref<128x32xf32, #tpu.memory_space<vmem>>
    %dma_start3A_15 = arith.constant 0 : i32
    %dma_start3A_16 = tpu.memref_slice %arg7[%dma_start3A, %dma_start3A_15] : memref<4x128xi32, #tpu.memory_space<vmem>> -> memref<1x128xi32, #tpu.memory_space<vmem>>
    %dma_start3A_17 = tpu.memref_squeeze %dma_start3A_16 : memref<1x128xi32, #tpu.memory_space<vmem>> -> memref<128xi32, #tpu.memory_space<vmem>>
    %dma_start3A_18 = arith.constant 0 : i32
    %dma_start3A_19 = arith.constant 0 : i32
    %dma_start3A_20 = tpu.memref_slice %arg3[%dma_start3A_18, %dma_start3A_19] : memref<1000000x32xf32, #tpu.memory_space<hbm>> -> memref<1000000x32xf32, #tpu.memory_space<hbm>>
    tpu.enqueue_indirect_dma source(%dma_start3A_20 : memref<1000000x32xf32, #tpu.memory_space<hbm>>) target(%dma_start3A_14 : memref<128x32xf32, #tpu.memory_space<vmem>>) offsets(%dma_start3A_17 : memref<128xi32, #tpu.memory_space<vmem>>) semaphore(%arg12 : memref<!tpu.dma_semaphore, #tpu.memory_space<semaphore_mem>>)
    %dma_start3A_21 = arith.constant 1 : i32
    %dma_start3A_22 = arith.constant 128 : i32
    %dma_start3A_23 = arith.constant 0 : i32
    %dma_start3A_24 = tpu.memref_slice %arg9[%dma_start3A_22, %dma_start3A_23] : memref<512x32xf32, #tpu.memory_space<vmem>> -> memref<128x32xf32, #tpu.memory_space<vmem>>
    %dma_start3A_25 = arith.constant 0 : i32
    %dma_start3A_26 = tpu.memref_slice %arg7[%dma_start3A_21, %dma_start3A_25] : memref<4x128xi32, #tpu.memory_space<vmem>> -> memref<1x128xi32, #tpu.memory_space<vmem>>
    %dma_start3A_27 = tpu.memref_squeeze %dma_start3A_26 : memref<1x128xi32, #tpu.memory_space<vmem>> -> memref<128xi32, #tpu.memory_space<vmem>>
    %dma_start3A_28 = arith.constant 0 : i32
    %dma_start3A_29 = arith.constant 0 : i32
    %dma_start3A_30 = tpu.memref_slice %arg3[%dma_start3A_28, %dma_start3A_29] : memref<1000000x32xf32, #tpu.memory_space<hbm>> -> memref<1000000x32xf32, #tpu.memory_space<hbm>>
    tpu.enqueue_indirect_dma source(%dma_start3A_30 : memref<1000000x32xf32, #tpu.memory_space<hbm>>) target(%dma_start3A_24 : memref<128x32xf32, #tpu.memory_space<vmem>>) offsets(%dma_start3A_27 : memref<128xi32, #tpu.memory_space<vmem>>) semaphore(%arg12 : memref<!tpu.dma_semaphore, #tpu.memory_space<semaphore_mem>>)
    %dma_start3A_31 = arith.constant 2 : i32
    %dma_start3A_32 = arith.constant 256 : i32
    %dma_start3A_33 = arith.constant 0 : i32
    %dma_start3A_34 = tpu.memref_slice %arg9[%dma_start3A_32, %dma_start3A_33] : memref<512x32xf32, #tpu.memory_space<vmem>> -> memref<128x32xf32, #tpu.memory_space<vmem>>
    %dma_start3A_35 = arith.constant 0 : i32
    %dma_start3A_36 = tpu.memref_slice %arg7[%dma_start3A_31, %dma_start3A_35] : memref<4x128xi32, #tpu.memory_space<vmem>> -> memref<1x128xi32, #tpu.memory_space<vmem>>
    %dma_start3A_37 = tpu.memref_squeeze %dma_start3A_36 : memref<1x128xi32, #tpu.memory_space<vmem>> -> memref<128xi32, #tpu.memory_space<vmem>>
    %dma_start3A_38 = arith.constant 0 : i32
    %dma_start3A_39 = arith.constant 0 : i32
    %dma_start3A_40 = tpu.memref_slice %arg3[%dma_start3A_38, %dma_start3A_39] : memref<1000000x32xf32, #tpu.memory_space<hbm>> -> memref<1000000x32xf32, #tpu.memory_space<hbm>>
    tpu.enqueue_indirect_dma source(%dma_start3A_40 : memref<1000000x32xf32, #tpu.memory_space<hbm>>) target(%dma_start3A_34 : memref<128x32xf32, #tpu.memory_space<vmem>>) offsets(%dma_start3A_37 : memref<128xi32, #tpu.memory_space<vmem>>) semaphore(%arg12 : memref<!tpu.dma_semaphore, #tpu.memory_space<semaphore_mem>>)
    %dma_start3A_41 = arith.constant 3 : i32
    %dma_start3A_42 = arith.constant 384 : i32
    %dma_start3A_43 = arith.constant 0 : i32
    %dma_start3A_44 = tpu.memref_slice %arg9[%dma_start3A_42, %dma_start3A_43] : memref<512x32xf32, #tpu.memory_space<vmem>> -> memref<128x32xf32, #tpu.memory_space<vmem>>
    %dma_start3A_45 = arith.constant 0 : i32
    %dma_start3A_46 = tpu.memref_slice %arg7[%dma_start3A_41, %dma_start3A_45] : memref<4x128xi32, #tpu.memory_space<vmem>> -> memref<1x128xi32, #tpu.memory_space<vmem>>
    %dma_start3A_47 = tpu.memref_squeeze %dma_start3A_46 : memref<1x128xi32, #tpu.memory_space<vmem>> -> memref<128xi32, #tpu.memory_space<vmem>>
    %dma_start3A_48 = arith.constant 0 : i32
    %dma_start3A_49 = arith.constant 0 : i32
    %dma_start3A_50 = tpu.memref_slice %arg3[%dma_start3A_48, %dma_start3A_49] : memref<1000000x32xf32, #tpu.memory_space<hbm>> -> memref<1000000x32xf32, #tpu.memory_space<hbm>>
    tpu.enqueue_indirect_dma source(%dma_start3A_50 : memref<1000000x32xf32, #tpu.memory_space<hbm>>) target(%dma_start3A_44 : memref<128x32xf32, #tpu.memory_space<vmem>>) offsets(%dma_start3A_47 : memref<128xi32, #tpu.memory_space<vmem>>) semaphore(%arg12 : memref<!tpu.dma_semaphore, #tpu.memory_space<semaphore_mem>>)
    %dma_start3A_51 = arith.constant 0 : i32
    %dma_start3A_52 = arith.constant 0 : i32
    %dma_start3A_53 = arith.constant 0 : i32
    %dma_start3A_54 = tpu.memref_slice %arg10[%dma_start3A_52, %dma_start3A_53] : memref<512x32xf32, #tpu.memory_space<vmem>> -> memref<128x32xf32, #tpu.memory_space<vmem>>
    %dma_start3A_55 = arith.constant 0 : i32
    %dma_start3A_56 = tpu.memref_slice %arg8[%dma_start3A_51, %dma_start3A_55] : memref<4x128xi32, #tpu.memory_space<vmem>> -> memref<1x128xi32, #tpu.memory_space<vmem>>
    %dma_start3A_57 = tpu.memref_squeeze %dma_start3A_56 : memref<1x128xi32, #tpu.memory_space<vmem>> -> memref<128xi32, #tpu.memory_space<vmem>>
    %dma_start3A_58 = arith.constant 0 : i32
    %dma_start3A_59 = arith.constant 0 : i32
    %dma_start3A_60 = tpu.memref_slice %arg4[%dma_start3A_58, %dma_start3A_59] : memref<1000000x32xf32, #tpu.memory_space<hbm>> -> memref<1000000x32xf32, #tpu.memory_space<hbm>>
    tpu.enqueue_indirect_dma source(%dma_start3A_60 : memref<1000000x32xf32, #tpu.memory_space<hbm>>) target(%dma_start3A_54 : memref<128x32xf32, #tpu.memory_space<vmem>>) offsets(%dma_start3A_57 : memref<128xi32, #tpu.memory_space<vmem>>) semaphore(%arg12 : memref<!tpu.dma_semaphore, #tpu.memory_space<semaphore_mem>>)
    %dma_start3A_61 = arith.constant 1 : i32
    %dma_start3A_62 = arith.constant 128 : i32
    %dma_start3A_63 = arith.constant 0 : i32
    %dma_start3A_64 = tpu.memref_slice %arg10[%dma_start3A_62, %dma_start3A_63] : memref<512x32xf32, #tpu.memory_space<vmem>> -> memref<128x32xf32, #tpu.memory_space<vmem>>
    %dma_start3A_65 = arith.constant 0 : i32
    %dma_start3A_66 = tpu.memref_slice %arg8[%dma_start3A_61, %dma_start3A_65] : memref<4x128xi32, #tpu.memory_space<vmem>> -> memref<1x128xi32, #tpu.memory_space<vmem>>
    %dma_start3A_67 = tpu.memref_squeeze %dma_start3A_66 : memref<1x128xi32, #tpu.memory_space<vmem>> -> memref<128xi32, #tpu.memory_space<vmem>>
    %dma_start3A_68 = arith.constant 0 : i32
    %dma_start3A_69 = arith.constant 0 : i32
    %dma_start3A_70 = tpu.memref_slice %arg4[%dma_start3A_68, %dma_start3A_69] : memref<1000000x32xf32, #tpu.memory_space<hbm>> -> memref<1000000x32xf32, #tpu.memory_space<hbm>>
    tpu.enqueue_indirect_dma source(%dma_start3A_70 : memref<1000000x32xf32, #tpu.memory_space<hbm>>) target(%dma_start3A_64 : memref<128x32xf32, #tpu.memory_space<vmem>>) offsets(%dma_start3A_67 : memref<128xi32, #tpu.memory_space<vmem>>) semaphore(%arg12 : memref<!tpu.dma_semaphore, #tpu.memory_space<semaphore_mem>>)
    %dma_start3A_71 = arith.constant 2 : i32
    %dma_start3A_72 = arith.constant 256 : i32
    %dma_start3A_73 = arith.constant 0 : i32
    %dma_start3A_74 = tpu.memref_slice %arg10[%dma_start3A_72, %dma_start3A_73] : memref<512x32xf32, #tpu.memory_space<vmem>> -> memref<128x32xf32, #tpu.memory_space<vmem>>
    %dma_start3A_75 = arith.constant 0 : i32
    %dma_start3A_76 = tpu.memref_slice %arg8[%dma_start3A_71, %dma_start3A_75] : memref<4x128xi32, #tpu.memory_space<vmem>> -> memref<1x128xi32, #tpu.memory_space<vmem>>
    %dma_start3A_77 = tpu.memref_squeeze %dma_start3A_76 : memref<1x128xi32, #tpu.memory_space<vmem>> -> memref<128xi32, #tpu.memory_space<vmem>>
    %dma_start3A_78 = arith.constant 0 : i32
    %dma_start3A_79 = arith.constant 0 : i32
    %dma_start3A_80 = tpu.memref_slice %arg4[%dma_start3A_78, %dma_start3A_79] : memref<1000000x32xf32, #tpu.memory_space<hbm>> -> memref<1000000x32xf32, #tpu.memory_space<hbm>>
    tpu.enqueue_indirect_dma source(%dma_start3A_80 : memref<1000000x32xf32, #tpu.memory_space<hbm>>) target(%dma_start3A_74 : memref<128x32xf32, #tpu.memory_space<vmem>>) offsets(%dma_start3A_77 : memref<128xi32, #tpu.memory_space<vmem>>) semaphore(%arg12 : memref<!tpu.dma_semaphore, #tpu.memory_space<semaphore_mem>>)
    %dma_start3A_81 = arith.constant 3 : i32
    %dma_start3A_82 = arith.constant 384 : i32
    %dma_start3A_83 = arith.constant 0 : i32
    %dma_start3A_84 = tpu.memref_slice %arg10[%dma_start3A_82, %dma_start3A_83] : memref<512x32xf32, #tpu.memory_space<vmem>> -> memref<128x32xf32, #tpu.memory_space<vmem>>
    %dma_start3A_85 = arith.constant 0 : i32
    %dma_start3A_86 = tpu.memref_slice %arg8[%dma_start3A_81, %dma_start3A_85] : memref<4x128xi32, #tpu.memory_space<vmem>> -> memref<1x128xi32, #tpu.memory_space<vmem>>
    %dma_start3A_87 = tpu.memref_squeeze %dma_start3A_86 : memref<1x128xi32, #tpu.memory_space<vmem>> -> memref<128xi32, #tpu.memory_space<vmem>>
    %dma_start3A_88 = arith.constant 0 : i32
    %dma_start3A_89 = arith.constant 0 : i32
    %dma_start3A_90 = tpu.memref_slice %arg4[%dma_start3A_88, %dma_start3A_89] : memref<1000000x32xf32, #tpu.memory_space<hbm>> -> memref<1000000x32xf32, #tpu.memory_space<hbm>>
    tpu.enqueue_indirect_dma source(%dma_start3A_90 : memref<1000000x32xf32, #tpu.memory_space<hbm>>) target(%dma_start3A_84 : memref<128x32xf32, #tpu.memory_space<vmem>>) offsets(%dma_start3A_87 : memref<128xi32, #tpu.memory_space<vmem>>) semaphore(%arg12 : memref<!tpu.dma_semaphore, #tpu.memory_space<semaphore_mem>>)
    %dma_wait3A = arith.constant 0 : i32
    %dma_wait3A_91 = arith.constant 0 : i32
    %dma_wait3A_92 = arith.constant 0 : i32
    %dma_wait3A_93 = tpu.memref_slice %arg9[%dma_wait3A_91, %dma_wait3A_92] : memref<512x32xf32, #tpu.memory_space<vmem>> -> memref<128x32xf32, #tpu.memory_space<vmem>>
    %dma_wait3A_94 = arith.constant 0 : i32
    %dma_wait3A_95 = tpu.memref_slice %arg7[%dma_wait3A, %dma_wait3A_94] : memref<4x128xi32, #tpu.memory_space<vmem>> -> memref<1x128xi32, #tpu.memory_space<vmem>>
    %dma_wait3A_96 = tpu.memref_squeeze %dma_wait3A_95 : memref<1x128xi32, #tpu.memory_space<vmem>> -> memref<128xi32, #tpu.memory_space<vmem>>
    %dma_wait3A_97 = arith.constant 0 : i32
    %dma_wait3A_98 = arith.constant 0 : i32
    %dma_wait3A_99 = tpu.memref_slice %arg3[%dma_wait3A_97, %dma_wait3A_98] : memref<1000000x32xf32, #tpu.memory_space<hbm>> -> memref<1000000x32xf32, #tpu.memory_space<hbm>>
    tpu.wait_indirect_dma semaphore(%arg12 : memref<!tpu.dma_semaphore, #tpu.memory_space<semaphore_mem>>) src(%dma_wait3A_99 : memref<1000000x32xf32, #tpu.memory_space<hbm>>) dst(%dma_wait3A_93 : memref<128x32xf32, #tpu.memory_space<vmem>>)
    %dma_wait3A_100 = arith.constant 1 : i32
    %dma_wait3A_101 = arith.constant 128 : i32
    %dma_wait3A_102 = arith.constant 0 : i32
    %dma_wait3A_103 = tpu.memref_slice %arg9[%dma_wait3A_101, %dma_wait3A_102] : memref<512x32xf32, #tpu.memory_space<vmem>> -> memref<128x32xf32, #tpu.memory_space<vmem>>
    %dma_wait3A_104 = arith.constant 0 : i32
    %dma_wait3A_105 = tpu.memref_slice %arg7[%dma_wait3A_100, %dma_wait3A_104] : memref<4x128xi32, #tpu.memory_space<vmem>> -> memref<1x128xi32, #tpu.memory_space<vmem>>
    %dma_wait3A_106 = tpu.memref_squeeze %dma_wait3A_105 : memref<1x128xi32, #tpu.memory_space<vmem>> -> memref<128xi32, #tpu.memory_space<vmem>>
    %dma_wait3A_107 = arith.constant 0 : i32
    %dma_wait3A_108 = arith.constant 0 : i32
    %dma_wait3A_109 = tpu.memref_slice %arg3[%dma_wait3A_107, %dma_wait3A_108] : memref<1000000x32xf32, #tpu.memory_space<hbm>> -> memref<1000000x32xf32, #tpu.memory_space<hbm>>
    tpu.wait_indirect_dma semaphore(%arg12 : memref<!tpu.dma_semaphore, #tpu.memory_space<semaphore_mem>>) src(%dma_wait3A_109 : memref<1000000x32xf32, #tpu.memory_space<hbm>>) dst(%dma_wait3A_103 : memref<128x32xf32, #tpu.memory_space<vmem>>)
    %dma_wait3A_110 = arith.constant 2 : i32
    %dma_wait3A_111 = arith.constant 256 : i32
    %dma_wait3A_112 = arith.constant 0 : i32
    %dma_wait3A_113 = tpu.memref_slice %arg9[%dma_wait3A_111, %dma_wait3A_112] : memref<512x32xf32, #tpu.memory_space<vmem>> -> memref<128x32xf32, #tpu.memory_space<vmem>>
    %dma_wait3A_114 = arith.constant 0 : i32
    %dma_wait3A_115 = tpu.memref_slice %arg7[%dma_wait3A_110, %dma_wait3A_114] : memref<4x128xi32, #tpu.memory_space<vmem>> -> memref<1x128xi32, #tpu.memory_space<vmem>>
    %dma_wait3A_116 = tpu.memref_squeeze %dma_wait3A_115 : memref<1x128xi32, #tpu.memory_space<vmem>> -> memref<128xi32, #tpu.memory_space<vmem>>
    %dma_wait3A_117 = arith.constant 0 : i32
    %dma_wait3A_118 = arith.constant 0 : i32
    %dma_wait3A_119 = tpu.memref_slice %arg3[%dma_wait3A_117, %dma_wait3A_118] : memref<1000000x32xf32, #tpu.memory_space<hbm>> -> memref<1000000x32xf32, #tpu.memory_space<hbm>>
    tpu.wait_indirect_dma semaphore(%arg12 : memref<!tpu.dma_semaphore, #tpu.memory_space<semaphore_mem>>) src(%dma_wait3A_119 : memref<1000000x32xf32, #tpu.memory_space<hbm>>) dst(%dma_wait3A_113 : memref<128x32xf32, #tpu.memory_space<vmem>>)
    %dma_wait3A_120 = arith.constant 3 : i32
    %dma_wait3A_121 = arith.constant 384 : i32
    %dma_wait3A_122 = arith.constant 0 : i32
    %dma_wait3A_123 = tpu.memref_slice %arg9[%dma_wait3A_121, %dma_wait3A_122] : memref<512x32xf32, #tpu.memory_space<vmem>> -> memref<128x32xf32, #tpu.memory_space<vmem>>
    %dma_wait3A_124 = arith.constant 0 : i32
    %dma_wait3A_125 = tpu.memref_slice %arg7[%dma_wait3A_120, %dma_wait3A_124] : memref<4x128xi32, #tpu.memory_space<vmem>> -> memref<1x128xi32, #tpu.memory_space<vmem>>
    %dma_wait3A_126 = tpu.memref_squeeze %dma_wait3A_125 : memref<1x128xi32, #tpu.memory_space<vmem>> -> memref<128xi32, #tpu.memory_space<vmem>>
    %dma_wait3A_127 = arith.constant 0 : i32
    %dma_wait3A_128 = arith.constant 0 : i32
    %dma_wait3A_129 = tpu.memref_slice %arg3[%dma_wait3A_127, %dma_wait3A_128] : memref<1000000x32xf32, #tpu.memory_space<hbm>> -> memref<1000000x32xf32, #tpu.memory_space<hbm>>
    tpu.wait_indirect_dma semaphore(%arg12 : memref<!tpu.dma_semaphore, #tpu.memory_space<semaphore_mem>>) src(%dma_wait3A_129 : memref<1000000x32xf32, #tpu.memory_space<hbm>>) dst(%dma_wait3A_123 : memref<128x32xf32, #tpu.memory_space<vmem>>)
    %dma_wait3A_130 = arith.constant 0 : i32
    %dma_wait3A_131 = arith.constant 0 : i32
    %dma_wait3A_132 = arith.constant 0 : i32
    %dma_wait3A_133 = tpu.memref_slice %arg10[%dma_wait3A_131, %dma_wait3A_132] : memref<512x32xf32, #tpu.memory_space<vmem>> -> memref<128x32xf32, #tpu.memory_space<vmem>>
    %dma_wait3A_134 = arith.constant 0 : i32
    %dma_wait3A_135 = tpu.memref_slice %arg8[%dma_wait3A_130, %dma_wait3A_134] : memref<4x128xi32, #tpu.memory_space<vmem>> -> memref<1x128xi32, #tpu.memory_space<vmem>>
    %dma_wait3A_136 = tpu.memref_squeeze %dma_wait3A_135 : memref<1x128xi32, #tpu.memory_space<vmem>> -> memref<128xi32, #tpu.memory_space<vmem>>
    %dma_wait3A_137 = arith.constant 0 : i32
    %dma_wait3A_138 = arith.constant 0 : i32
    %dma_wait3A_139 = tpu.memref_slice %arg4[%dma_wait3A_137, %dma_wait3A_138] : memref<1000000x32xf32, #tpu.memory_space<hbm>> -> memref<1000000x32xf32, #tpu.memory_space<hbm>>
    tpu.wait_indirect_dma semaphore(%arg12 : memref<!tpu.dma_semaphore, #tpu.memory_space<semaphore_mem>>) src(%dma_wait3A_139 : memref<1000000x32xf32, #tpu.memory_space<hbm>>) dst(%dma_wait3A_133 : memref<128x32xf32, #tpu.memory_space<vmem>>)
    %dma_wait3A_140 = arith.constant 1 : i32
    %dma_wait3A_141 = arith.constant 128 : i32
    %dma_wait3A_142 = arith.constant 0 : i32
    %dma_wait3A_143 = tpu.memref_slice %arg10[%dma_wait3A_141, %dma_wait3A_142] : memref<512x32xf32, #tpu.memory_space<vmem>> -> memref<128x32xf32, #tpu.memory_space<vmem>>
    %dma_wait3A_144 = arith.constant 0 : i32
    %dma_wait3A_145 = tpu.memref_slice %arg8[%dma_wait3A_140, %dma_wait3A_144] : memref<4x128xi32, #tpu.memory_space<vmem>> -> memref<1x128xi32, #tpu.memory_space<vmem>>
    %dma_wait3A_146 = tpu.memref_squeeze %dma_wait3A_145 : memref<1x128xi32, #tpu.memory_space<vmem>> -> memref<128xi32, #tpu.memory_space<vmem>>
    %dma_wait3A_147 = arith.constant 0 : i32
    %dma_wait3A_148 = arith.constant 0 : i32
    %dma_wait3A_149 = tpu.memref_slice %arg4[%dma_wait3A_147, %dma_wait3A_148] : memref<1000000x32xf32, #tpu.memory_space<hbm>> -> memref<1000000x32xf32, #tpu.memory_space<hbm>>
    tpu.wait_indirect_dma semaphore(%arg12 : memref<!tpu.dma_semaphore, #tpu.memory_space<semaphore_mem>>) src(%dma_wait3A_149 : memref<1000000x32xf32, #tpu.memory_space<hbm>>) dst(%dma_wait3A_143 : memref<128x32xf32, #tpu.memory_space<vmem>>)
    %dma_wait3A_150 = arith.constant 2 : i32
    %dma_wait3A_151 = arith.constant 256 : i32
    %dma_wait3A_152 = arith.constant 0 : i32
    %dma_wait3A_153 = tpu.memref_slice %arg10[%dma_wait3A_151, %dma_wait3A_152] : memref<512x32xf32, #tpu.memory_space<vmem>> -> memref<128x32xf32, #tpu.memory_space<vmem>>
    %dma_wait3A_154 = arith.constant 0 : i32
    %dma_wait3A_155 = tpu.memref_slice %arg8[%dma_wait3A_150, %dma_wait3A_154] : memref<4x128xi32, #tpu.memory_space<vmem>> -> memref<1x128xi32, #tpu.memory_space<vmem>>
    %dma_wait3A_156 = tpu.memref_squeeze %dma_wait3A_155 : memref<1x128xi32, #tpu.memory_space<vmem>> -> memref<128xi32, #tpu.memory_space<vmem>>
    %dma_wait3A_157 = arith.constant 0 : i32
    %dma_wait3A_158 = arith.constant 0 : i32
    %dma_wait3A_159 = tpu.memref_slice %arg4[%dma_wait3A_157, %dma_wait3A_158] : memref<1000000x32xf32, #tpu.memory_space<hbm>> -> memref<1000000x32xf32, #tpu.memory_space<hbm>>
    tpu.wait_indirect_dma semaphore(%arg12 : memref<!tpu.dma_semaphore, #tpu.memory_space<semaphore_mem>>) src(%dma_wait3A_159 : memref<1000000x32xf32, #tpu.memory_space<hbm>>) dst(%dma_wait3A_153 : memref<128x32xf32, #tpu.memory_space<vmem>>)
    %dma_wait3A_160 = arith.constant 3 : i32
    %dma_wait3A_161 = arith.constant 384 : i32
    %dma_wait3A_162 = arith.constant 0 : i32
    %dma_wait3A_163 = tpu.memref_slice %arg10[%dma_wait3A_161, %dma_wait3A_162] : memref<512x32xf32, #tpu.memory_space<vmem>> -> memref<128x32xf32, #tpu.memory_space<vmem>>
    %dma_wait3A_164 = arith.constant 0 : i32
    %dma_wait3A_165 = tpu.memref_slice %arg8[%dma_wait3A_160, %dma_wait3A_164] : memref<4x128xi32, #tpu.memory_space<vmem>> -> memref<1x128xi32, #tpu.memory_space<vmem>>
    %dma_wait3A_166 = tpu.memref_squeeze %dma_wait3A_165 : memref<1x128xi32, #tpu.memory_space<vmem>> -> memref<128xi32, #tpu.memory_space<vmem>>
    %dma_wait3A_167 = arith.constant 0 : i32
    %dma_wait3A_168 = arith.constant 0 : i32
    %dma_wait3A_169 = tpu.memref_slice %arg4[%dma_wait3A_167, %dma_wait3A_168] : memref<1000000x32xf32, #tpu.memory_space<hbm>> -> memref<1000000x32xf32, #tpu.memory_space<hbm>>
    tpu.wait_indirect_dma semaphore(%arg12 : memref<!tpu.dma_semaphore, #tpu.memory_space<semaphore_mem>>) src(%dma_wait3A_169 : memref<1000000x32xf32, #tpu.memory_space<hbm>>) dst(%dma_wait3A_163 : memref<128x32xf32, #tpu.memory_space<vmem>>)
    %scan3A_170 = arith.constant 0 : i32
    %scan3A_171 = arith.constant 0 : i32
    %scan3A_172 = arith.constant 32 : i32
    %scan3A_173 = arith.addi %scan3A_171, %scan3A_172 : i32
    %scan3A_174 = arith.constant 1 : i32
    %scan3A_175 = scf.for %scan3A_177 = %scan3A_171 to %scan3A_173 step %scan3A_174 iter_args(%scan3A_178 = %scan3A_170) -> (i32)  : i32 {
      %mul3A_179 = arith.constant 16 : i32
      %mul3A_180 = arith.muli %scan3A_177, %mul3A_179 : i32
      %add3A_181 = vector.broadcast %mul3A_180 : i32 to vector<16xi32>
      %add3A_182 = arith.addi %iota3A, %add3A_181 : vector<16xi32>
      %broadcast_in_dim3A_183 = arith.constant 0.000000e+00 : f32
      %broadcast_in_dim3A_184 = vector.broadcast %broadcast_in_dim3A_183 : f32 to vector<16xf32>
      %broadcast_in_dim3A_185 = arith.constant 0 : i32
      %broadcast_in_dim3A_186 = vector.broadcast %broadcast_in_dim3A_185 : i32 to vector<16xi32>
      %gather3A = tpu.vector_load_idx %arg9[%add3A_182, %broadcast_in_dim3A_186] : memref<512x32xf32, #tpu.memory_space<vmem>>[vector<16xi32>, vector<16xi32>], vector<16xf32>,
      %gather3A_187 = tpu.vector_load_idx %arg10[%add3A_182, %broadcast_in_dim3A_186] : memref<512x32xf32, #tpu.memory_space<vmem>>[vector<16xi32>, vector<16xi32>], vector<16xf32>,
      %mul3A_188 = arith.mulf %gather3A, %gather3A_187 : vector<16xf32>
      %add3A_189 = arith.addf %broadcast_in_dim3A_184, %mul3A_188 : vector<16xf32>
      %broadcast_in_dim3A_190 = arith.constant 1 : i32
      %broadcast_in_dim3A_191 = vector.broadcast %broadcast_in_dim3A_190 : i32 to vector<16xi32>
      %gather3A_192 = tpu.vector_load_idx %arg9[%add3A_182, %broadcast_in_dim3A_191] : memref<512x32xf32, #tpu.memory_space<vmem>>[vector<16xi32>, vector<16xi32>], vector<16xf32>,
      %gather3A_193 = tpu.vector_load_idx %arg10[%add3A_182, %broadcast_in_dim3A_191] : memref<512x32xf32, #tpu.memory_space<vmem>>[vector<16xi32>, vector<16xi32>], vector<16xf32>,
      %mul3A_194 = arith.mulf %gather3A_192, %gather3A_193 : vector<16xf32>
      %add3A_195 = arith.addf %add3A_189, %mul3A_194 : vector<16xf32>
      %broadcast_in_dim3A_196 = arith.constant 2 : i32
      %broadcast_in_dim3A_197 = vector.broadcast %broadcast_in_dim3A_196 : i32 to vector<16xi32>
      %gather3A_198 = tpu.vector_load_idx %arg9[%add3A_182, %broadcast_in_dim3A_197] : memref<512x32xf32, #tpu.memory_space<vmem>>[vector<16xi32>, vector<16xi32>], vector<16xf32>,
      %gather3A_199 = tpu.vector_load_idx %arg10[%add3A_182, %broadcast_in_dim3A_197] : memref<512x32xf32, #tpu.memory_space<vmem>>[vector<16xi32>, vector<16xi32>], vector<16xf32>,
      %mul3A_200 = arith.mulf %gather3A_198, %gather3A_199 : vector<16xf32>
      %add3A_201 = arith.addf %add3A_195, %mul3A_200 : vector<16xf32>
      %broadcast_in_dim3A_202 = arith.constant 3 : i32
      %broadcast_in_dim3A_203 = vector.broadcast %broadcast_in_dim3A_202 : i32 to vector<16xi32>
      %gather3A_204 = tpu.vector_load_idx %arg9[%add3A_182, %broadcast_in_dim3A_203] : memref<512x32xf32, #tpu.memory_space<vmem>>[vector<16xi32>, vector<16xi32>], vector<16xf32>,
      %gather3A_205 = tpu.vector_load_idx %arg10[%add3A_182, %broadcast_in_dim3A_203] : memref<512x32xf32, #tpu.memory_space<vmem>>[vector<16xi32>, vector<16xi32>], vector<16xf32>,
      %mul3A_206 = arith.mulf %gather3A_204, %gather3A_205 : vector<16xf32>
      %add3A_207 = arith.addf %add3A_201, %mul3A_206 : vector<16xf32>
      %broadcast_in_dim3A_208 = arith.constant 4 : i32
      %broadcast_in_dim3A_209 = vector.broadcast %broadcast_in_dim3A_208 : i32 to vector<16xi32>
      %gather3A_210 = tpu.vector_load_idx %arg9[%add3A_182, %broadcast_in_dim3A_209] : memref<512x32xf32, #tpu.memory_space<vmem>>[vector<16xi32>, vector<16xi32>], vector<16xf32>,
      %gather3A_211 = tpu.vector_load_idx %arg10[%add3A_182, %broadcast_in_dim3A_209] : memref<512x32xf32, #tpu.memory_space<vmem>>[vector<16xi32>, vector<16xi32>], vector<16xf32>,
      %mul3A_212 = arith.mulf %gather3A_210, %gather3A_211 : vector<16xf32>
      %add3A_213 = arith.addf %add3A_207, %mul3A_212 : vector<16xf32>
      %broadcast_in_dim3A_214 = arith.constant 5 : i32
      %broadcast_in_dim3A_215 = vector.broadcast %broadcast_in_dim3A_214 : i32 to vector<16xi32>
      %gather3A_216 = tpu.vector_load_idx %arg9[%add3A_182, %broadcast_in_dim3A_215] : memref<512x32xf32, #tpu.memory_space<vmem>>[vector<16xi32>, vector<16xi32>], vector<16xf32>,
      %gather3A_217 = tpu.vector_load_idx %arg10[%add3A_182, %broadcast_in_dim3A_215] : memref<512x32xf32, #tpu.memory_space<vmem>>[vector<16xi32>, vector<16xi32>], vector<16xf32>,
      %mul3A_218 = arith.mulf %gather3A_216, %gather3A_217 : vector<16xf32>
      %add3A_219 = arith.addf %add3A_213, %mul3A_218 : vector<16xf32>
      %broadcast_in_dim3A_220 = arith.constant 6 : i32
      %broadcast_in_dim3A_221 = vector.broadcast %broadcast_in_dim3A_220 : i32 to vector<16xi32>
      %gather3A_222 = tpu.vector_load_idx %arg9[%add3A_182, %broadcast_in_dim3A_221] : memref<512x32xf32, #tpu.memory_space<vmem>>[vector<16xi32>, vector<16xi32>], vector<16xf32>,
      %gather3A_223 = tpu.vector_load_idx %arg10[%add3A_182, %broadcast_in_dim3A_221] : memref<512x32xf32, #tpu.memory_space<vmem>>[vector<16xi32>, vector<16xi32>], vector<16xf32>,
      %mul3A_224 = arith.mulf %gather3A_222, %gather3A_223 : vector<16xf32>
      %add3A_225 = arith.addf %add3A_219, %mul3A_224 : vector<16xf32>
      %broadcast_in_dim3A_226 = arith.constant 7 : i32
      %broadcast_in_dim3A_227 = vector.broadcast %broadcast_in_dim3A_226 : i32 to vector<16xi32>
      %gather3A_228 = tpu.vector_load_idx %arg9[%add3A_182, %broadcast_in_dim3A_227] : memref<512x32xf32, #tpu.memory_space<vmem>>[vector<16xi32>, vector<16xi32>], vector<16xf32>,
      %gather3A_229 = tpu.vector_load_idx %arg10[%add3A_182, %broadcast_in_dim3A_227] : memref<512x32xf32, #tpu.memory_space<vmem>>[vector<16xi32>, vector<16xi32>], vector<16xf32>,
      %mul3A_230 = arith.mulf %gather3A_228, %gather3A_229 : vector<16xf32>
      %add3A_231 = arith.addf %add3A_225, %mul3A_230 : vector<16xf32>
      %broadcast_in_dim3A_232 = arith.constant 8 : i32
      %broadcast_in_dim3A_233 = vector.broadcast %broadcast_in_dim3A_232 : i32 to vector<16xi32>
      %gather3A_234 = tpu.vector_load_idx %arg9[%add3A_182, %broadcast_in_dim3A_233] : memref<512x32xf32, #tpu.memory_space<vmem>>[vector<16xi32>, vector<16xi32>], vector<16xf32>,
      %gather3A_235 = tpu.vector_load_idx %arg10[%add3A_182, %broadcast_in_dim3A_233] : memref<512x32xf32, #tpu.memory_space<vmem>>[vector<16xi32>, vector<16xi32>], vector<16xf32>,
      %mul3A_236 = arith.mulf %gather3A_234, %gather3A_235 : vector<16xf32>
      %add3A_237 = arith.addf %add3A_231, %mul3A_236 : vector<16xf32>
      %broadcast_in_dim3A_238 = arith.constant 9 : i32
      %broadcast_in_dim3A_239 = vector.broadcast %broadcast_in_dim3A_238 : i32 to vector<16xi32>
      %gather3A_240 = tpu.vector_load_idx %arg9[%add3A_182, %broadcast_in_dim3A_239] : memref<512x32xf32, #tpu.memory_space<vmem>>[vector<16xi32>, vector<16xi32>], vector<16xf32>,
      %gather3A_241 = tpu.vector_load_idx %arg10[%add3A_182, %broadcast_in_dim3A_239] : memref<512x32xf32, #tpu.memory_space<vmem>>[vector<16xi32>, vector<16xi32>], vector<16xf32>,
      %mul3A_242 = arith.mulf %gather3A_240, %gather3A_241 : vector<16xf32>
      %add3A_243 = arith.addf %add3A_237, %mul3A_242 : vector<16xf32>
      %broadcast_in_dim3A_244 = arith.constant 10 : i32
      %broadcast_in_dim3A_245 = vector.broadcast %broadcast_in_dim3A_244 : i32 to vector<16xi32>
      %gather3A_246 = tpu.vector_load_idx %arg9[%add3A_182, %broadcast_in_dim3A_245] : memref<512x32xf32, #tpu.memory_space<vmem>>[vector<16xi32>, vector<16xi32>], vector<16xf32>,
      %gather3A_247 = tpu.vector_load_idx %arg10[%add3A_182, %broadcast_in_dim3A_245] : memref<512x32xf32, #tpu.memory_space<vmem>>[vector<16xi32>, vector<16xi32>], vector<16xf32>,
      %mul3A_248 = arith.mulf %gather3A_246, %gather3A_247 : vector<16xf32>
      %add3A_249 = arith.addf %add3A_243, %mul3A_248 : vector<16xf32>
      %broadcast_in_dim3A_250 = arith.constant 11 : i32
      %broadcast_in_dim3A_251 = vector.broadcast %broadcast_in_dim3A_250 : i32 to vector<16xi32>
      %gather3A_252 = tpu.vector_load_idx %arg9[%add3A_182, %broadcast_in_dim3A_251] : memref<512x32xf32, #tpu.memory_space<vmem>>[vector<16xi32>, vector<16xi32>], vector<16xf32>,
      %gather3A_253 = tpu.vector_load_idx %arg10[%add3A_182, %broadcast_in_dim3A_251] : memref<512x32xf32, #tpu.memory_space<vmem>>[vector<16xi32>, vector<16xi32>], vector<16xf32>,
      %mul3A_254 = arith.mulf %gather3A_252, %gather3A_253 : vector<16xf32>
      %add3A_255 = arith.addf %add3A_249, %mul3A_254 : vector<16xf32>
      %broadcast_in_dim3A_256 = arith.constant 12 : i32
      %broadcast_in_dim3A_257 = vector.broadcast %broadcast_in_dim3A_256 : i32 to vector<16xi32>
      %gather3A_258 = tpu.vector_load_idx %arg9[%add3A_182, %broadcast_in_dim3A_257] : memref<512x32xf32, #tpu.memory_space<vmem>>[vector<16xi32>, vector<16xi32>], vector<16xf32>,
      %gather3A_259 = tpu.vector_load_idx %arg10[%add3A_182, %broadcast_in_dim3A_257] : memref<512x32xf32, #tpu.memory_space<vmem>>[vector<16xi32>, vector<16xi32>], vector<16xf32>,
      %mul3A_260 = arith.mulf %gather3A_258, %gather3A_259 : vector<16xf32>
      %add3A_261 = arith.addf %add3A_255, %mul3A_260 : vector<16xf32>
      %broadcast_in_dim3A_262 = arith.constant 13 : i32
      %broadcast_in_dim3A_263 = vector.broadcast %broadcast_in_dim3A_262 : i32 to vector<16xi32>
      %gather3A_264 = tpu.vector_load_idx %arg9[%add3A_182, %broadcast_in_dim3A_263] : memref<512x32xf32, #tpu.memory_space<vmem>>[vector<16xi32>, vector<16xi32>], vector<16xf32>,
      %gather3A_265 = tpu.vector_load_idx %arg10[%add3A_182, %broadcast_in_dim3A_263] : memref<512x32xf32, #tpu.memory_space<vmem>>[vector<16xi32>, vector<16xi32>], vector<16xf32>,
      %mul3A_266 = arith.mulf %gather3A_264, %gather3A_265 : vector<16xf32>
      %add3A_267 = arith.addf %add3A_261, %mul3A_266 : vector<16xf32>
      %broadcast_in_dim3A_268 = arith.constant 14 : i32
      %broadcast_in_dim3A_269 = vector.broadcast %broadcast_in_dim3A_268 : i32 to vector<16xi32>
      %gather3A_270 = tpu.vector_load_idx %arg9[%add3A_182, %broadcast_in_dim3A_269] : memref<512x32xf32, #tpu.memory_space<vmem>>[vector<16xi32>, vector<16xi32>], vector<16xf32>,
      %gather3A_271 = tpu.vector_load_idx %arg10[%add3A_182, %broadcast_in_dim3A_269] : memref<512x32xf32, #tpu.memory_space<vmem>>[vector<16xi32>, vector<16xi32>], vector<16xf32>,
      %mul3A_272 = arith.mulf %gather3A_270, %gather3A_271 : vector<16xf32>
      %add3A_273 = arith.addf %add3A_267, %mul3A_272 : vector<16xf32>
      %broadcast_in_dim3A_274 = arith.constant 15 : i32
      %broadcast_in_dim3A_275 = vector.broadcast %broadcast_in_dim3A_274 : i32 to vector<16xi32>
      %gather3A_276 = tpu.vector_load_idx %arg9[%add3A_182, %broadcast_in_dim3A_275] : memref<512x32xf32, #tpu.memory_space<vmem>>[vector<16xi32>, vector<16xi32>], vector<16xf32>,
      %gather3A_277 = tpu.vector_load_idx %arg10[%add3A_182, %broadcast_in_dim3A_275] : memref<512x32xf32, #tpu.memory_space<vmem>>[vector<16xi32>, vector<16xi32>], vector<16xf32>,
      %mul3A_278 = arith.mulf %gather3A_276, %gather3A_277 : vector<16xf32>
      %add3A_279 = arith.addf %add3A_273, %mul3A_278 : vector<16xf32>
      %broadcast_in_dim3A_280 = arith.constant 16 : i32
      %broadcast_in_dim3A_281 = vector.broadcast %broadcast_in_dim3A_280 : i32 to vector<16xi32>
      %gather3A_282 = tpu.vector_load_idx %arg9[%add3A_182, %broadcast_in_dim3A_281] : memref<512x32xf32, #tpu.memory_space<vmem>>[vector<16xi32>, vector<16xi32>], vector<16xf32>,
      %gather3A_283 = tpu.vector_load_idx %arg10[%add3A_182, %broadcast_in_dim3A_281] : memref<512x32xf32, #tpu.memory_space<vmem>>[vector<16xi32>, vector<16xi32>], vector<16xf32>,
      %mul3A_284 = arith.mulf %gather3A_282, %gather3A_283 : vector<16xf32>
      %add3A_285 = arith.addf %add3A_279, %mul3A_284 : vector<16xf32>
      %broadcast_in_dim3A_286 = arith.constant 17 : i32
      %broadcast_in_dim3A_287 = vector.broadcast %broadcast_in_dim3A_286 : i32 to vector<16xi32>
      %gather3A_288 = tpu.vector_load_idx %arg9[%add3A_182, %broadcast_in_dim3A_287] : memref<512x32xf32, #tpu.memory_space<vmem>>[vector<16xi32>, vector<16xi32>], vector<16xf32>,
      %gather3A_289 = tpu.vector_load_idx %arg10[%add3A_182, %broadcast_in_dim3A_287] : memref<512x32xf32, #tpu.memory_space<vmem>>[vector<16xi32>, vector<16xi32>], vector<16xf32>,
      %mul3A_290 = arith.mulf %gather3A_288, %gather3A_289 : vector<16xf32>
      %add3A_291 = arith.addf %add3A_285, %mul3A_290 : vector<16xf32>
      %broadcast_in_dim3A_292 = arith.constant 18 : i32
      %broadcast_in_dim3A_293 = vector.broadcast %broadcast_in_dim3A_292 : i32 to vector<16xi32>
      %gather3A_294 = tpu.vector_load_idx %arg9[%add3A_182, %broadcast_in_dim3A_293] : memref<512x32xf32, #tpu.memory_space<vmem>>[vector<16xi32>, vector<16xi32>], vector<16xf32>,
      %gather3A_295 = tpu.vector_load_idx %arg10[%add3A_182, %broadcast_in_dim3A_293] : memref<512x32xf32, #tpu.memory_space<vmem>>[vector<16xi32>, vector<16xi32>], vector<16xf32>,
      %mul3A_296 = arith.mulf %gather3A_294, %gather3A_295 : vector<16xf32>
      %add3A_297 = arith.addf %add3A_291, %mul3A_296 : vector<16xf32>
      %broadcast_in_dim3A_298 = arith.constant 19 : i32
      %broadcast_in_dim3A_299 = vector.broadcast %broadcast_in_dim3A_298 : i32 to vector<16xi32>
      %gather3A_300 = tpu.vector_load_idx %arg9[%add3A_182, %broadcast_in_dim3A_299] : memref<512x32xf32, #tpu.memory_space<vmem>>[vector<16xi32>, vector<16xi32>], vector<16xf32>,
      %gather3A_301 = tpu.vector_load_idx %arg10[%add3A_182, %broadcast_in_dim3A_299] : memref<512x32xf32, #tpu.memory_space<vmem>>[vector<16xi32>, vector<16xi32>], vector<16xf32>,
      %mul3A_302 = arith.mulf %gather3A_300, %gather3A_301 : vector<16xf32>
      %add3A_303 = arith.addf %add3A_297, %mul3A_302 : vector<16xf32>
      %broadcast_in_dim3A_304 = arith.constant 20 : i32
      %broadcast_in_dim3A_305 = vector.broadcast %broadcast_in_dim3A_304 : i32 to vector<16xi32>
      %gather3A_306 = tpu.vector_load_idx %arg9[%add3A_182, %broadcast_in_dim3A_305] : memref<512x32xf32, #tpu.memory_space<vmem>>[vector<16xi32>, vector<16xi32>], vector<16xf32>,
      %gather3A_307 = tpu.vector_load_idx %arg10[%add3A_182, %broadcast_in_dim3A_305] : memref<512x32xf32, #tpu.memory_space<vmem>>[vector<16xi32>, vector<16xi32>], vector<16xf32>,
      %mul3A_308 = arith.mulf %gather3A_306, %gather3A_307 : vector<16xf32>
      %add3A_309 = arith.addf %add3A_303, %mul3A_308 : vector<16xf32>
      %broadcast_in_dim3A_310 = arith.constant 21 : i32
      %broadcast_in_dim3A_311 = vector.broadcast %broadcast_in_dim3A_310 : i32 to vector<16xi32>
      %gather3A_312 = tpu.vector_load_idx %arg9[%add3A_182, %broadcast_in_dim3A_311] : memref<512x32xf32, #tpu.memory_space<vmem>>[vector<16xi32>, vector<16xi32>], vector<16xf32>,
      %gather3A_313 = tpu.vector_load_idx %arg10[%add3A_182, %broadcast_in_dim3A_311] : memref<512x32xf32, #tpu.memory_space<vmem>>[vector<16xi32>, vector<16xi32>], vector<16xf32>,
      %mul3A_314 = arith.mulf %gather3A_312, %gather3A_313 : vector<16xf32>
      %add3A_315 = arith.addf %add3A_309, %mul3A_314 : vector<16xf32>
      %broadcast_in_dim3A_316 = arith.constant 22 : i32
      %broadcast_in_dim3A_317 = vector.broadcast %broadcast_in_dim3A_316 : i32 to vector<16xi32>
      %gather3A_318 = tpu.vector_load_idx %arg9[%add3A_182, %broadcast_in_dim3A_317] : memref<512x32xf32, #tpu.memory_space<vmem>>[vector<16xi32>, vector<16xi32>], vector<16xf32>,
      %gather3A_319 = tpu.vector_load_idx %arg10[%add3A_182, %broadcast_in_dim3A_317] : memref<512x32xf32, #tpu.memory_space<vmem>>[vector<16xi32>, vector<16xi32>], vector<16xf32>,
      %mul3A_320 = arith.mulf %gather3A_318, %gather3A_319 : vector<16xf32>
      %add3A_321 = arith.addf %add3A_315, %mul3A_320 : vector<16xf32>
      %broadcast_in_dim3A_322 = arith.constant 23 : i32
      %broadcast_in_dim3A_323 = vector.broadcast %broadcast_in_dim3A_322 : i32 to vector<16xi32>
      %gather3A_324 = tpu.vector_load_idx %arg9[%add3A_182, %broadcast_in_dim3A_323] : memref<512x32xf32, #tpu.memory_space<vmem>>[vector<16xi32>, vector<16xi32>], vector<16xf32>,
      %gather3A_325 = tpu.vector_load_idx %arg10[%add3A_182, %broadcast_in_dim3A_323] : memref<512x32xf32, #tpu.memory_space<vmem>>[vector<16xi32>, vector<16xi32>], vector<16xf32>,
      %mul3A_326 = arith.mulf %gather3A_324, %gather3A_325 : vector<16xf32>
      %add3A_327 = arith.addf %add3A_321, %mul3A_326 : vector<16xf32>
      %broadcast_in_dim3A_328 = arith.constant 24 : i32
      %broadcast_in_dim3A_329 = vector.broadcast %broadcast_in_dim3A_328 : i32 to vector<16xi32>
      %gather3A_330 = tpu.vector_load_idx %arg9[%add3A_182, %broadcast_in_dim3A_329] : memref<512x32xf32, #tpu.memory_space<vmem>>[vector<16xi32>, vector<16xi32>], vector<16xf32>,
      %gather3A_331 = tpu.vector_load_idx %arg10[%add3A_182, %broadcast_in_dim3A_329] : memref<512x32xf32, #tpu.memory_space<vmem>>[vector<16xi32>, vector<16xi32>], vector<16xf32>,
      %mul3A_332 = arith.mulf %gather3A_330, %gather3A_331 : vector<16xf32>
      %add3A_333 = arith.addf %add3A_327, %mul3A_332 : vector<16xf32>
      %broadcast_in_dim3A_334 = arith.constant 25 : i32
      %broadcast_in_dim3A_335 = vector.broadcast %broadcast_in_dim3A_334 : i32 to vector<16xi32>
      %gather3A_336 = tpu.vector_load_idx %arg9[%add3A_182, %broadcast_in_dim3A_335] : memref<512x32xf32, #tpu.memory_space<vmem>>[vector<16xi32>, vector<16xi32>], vector<16xf32>,
      %gather3A_337 = tpu.vector_load_idx %arg10[%add3A_182, %broadcast_in_dim3A_335] : memref<512x32xf32, #tpu.memory_space<vmem>>[vector<16xi32>, vector<16xi32>], vector<16xf32>,
      %mul3A_338 = arith.mulf %gather3A_336, %gather3A_337 : vector<16xf32>
      %add3A_339 = arith.addf %add3A_333, %mul3A_338 : vector<16xf32>
      %broadcast_in_dim3A_340 = arith.constant 26 : i32
      %broadcast_in_dim3A_341 = vector.broadcast %broadcast_in_dim3A_340 : i32 to vector<16xi32>
      %gather3A_342 = tpu.vector_load_idx %arg9[%add3A_182, %broadcast_in_dim3A_341] : memref<512x32xf32, #tpu.memory_space<vmem>>[vector<16xi32>, vector<16xi32>], vector<16xf32>,
      %gather3A_343 = tpu.vector_load_idx %arg10[%add3A_182, %broadcast_in_dim3A_341] : memref<512x32xf32, #tpu.memory_space<vmem>>[vector<16xi32>, vector<16xi32>], vector<16xf32>,
      %mul3A_344 = arith.mulf %gather3A_342, %gather3A_343 : vector<16xf32>
      %add3A_345 = arith.addf %add3A_339, %mul3A_344 : vector<16xf32>
      %broadcast_in_dim3A_346 = arith.constant 27 : i32
      %broadcast_in_dim3A_347 = vector.broadcast %broadcast_in_dim3A_346 : i32 to vector<16xi32>
      %gather3A_348 = tpu.vector_load_idx %arg9[%add3A_182, %broadcast_in_dim3A_347] : memref<512x32xf32, #tpu.memory_space<vmem>>[vector<16xi32>, vector<16xi32>], vector<16xf32>,
      %gather3A_349 = tpu.vector_load_idx %arg10[%add3A_182, %broadcast_in_dim3A_347] : memref<512x32xf32, #tpu.memory_space<vmem>>[vector<16xi32>, vector<16xi32>], vector<16xf32>,
      %mul3A_350 = arith.mulf %gather3A_348, %gather3A_349 : vector<16xf32>
      %add3A_351 = arith.addf %add3A_345, %mul3A_350 : vector<16xf32>
      %broadcast_in_dim3A_352 = arith.constant 28 : i32
      %broadcast_in_dim3A_353 = vector.broadcast %broadcast_in_dim3A_352 : i32 to vector<16xi32>
      %gather3A_354 = tpu.vector_load_idx %arg9[%add3A_182, %broadcast_in_dim3A_353] : memref<512x32xf32, #tpu.memory_space<vmem>>[vector<16xi32>, vector<16xi32>], vector<16xf32>,
      %gather3A_355 = tpu.vector_load_idx %arg10[%add3A_182, %broadcast_in_dim3A_353] : memref<512x32xf32, #tpu.memory_space<vmem>>[vector<16xi32>, vector<16xi32>], vector<16xf32>,
      %mul3A_356 = arith.mulf %gather3A_354, %gather3A_355 : vector<16xf32>
      %add3A_357 = arith.addf %add3A_351, %mul3A_356 : vector<16xf32>
      %broadcast_in_dim3A_358 = arith.constant 29 : i32
      %broadcast_in_dim3A_359 = vector.broadcast %broadcast_in_dim3A_358 : i32 to vector<16xi32>
      %gather3A_360 = tpu.vector_load_idx %arg9[%add3A_182, %broadcast_in_dim3A_359] : memref<512x32xf32, #tpu.memory_space<vmem>>[vector<16xi32>, vector<16xi32>], vector<16xf32>,
      %gather3A_361 = tpu.vector_load_idx %arg10[%add3A_182, %broadcast_in_dim3A_359] : memref<512x32xf32, #tpu.memory_space<vmem>>[vector<16xi32>, vector<16xi32>], vector<16xf32>,
      %mul3A_362 = arith.mulf %gather3A_360, %gather3A_361 : vector<16xf32>
      %add3A_363 = arith.addf %add3A_357, %mul3A_362 : vector<16xf32>
      %broadcast_in_dim3A_364 = arith.constant 30 : i32
      %broadcast_in_dim3A_365 = vector.broadcast %broadcast_in_dim3A_364 : i32 to vector<16xi32>
      %gather3A_366 = tpu.vector_load_idx %arg9[%add3A_182, %broadcast_in_dim3A_365] : memref<512x32xf32, #tpu.memory_space<vmem>>[vector<16xi32>, vector<16xi32>], vector<16xf32>,
      %gather3A_367 = tpu.vector_load_idx %arg10[%add3A_182, %broadcast_in_dim3A_365] : memref<512x32xf32, #tpu.memory_space<vmem>>[vector<16xi32>, vector<16xi32>], vector<16xf32>,
      %mul3A_368 = arith.mulf %gather3A_366, %gather3A_367 : vector<16xf32>
      %add3A_369 = arith.addf %add3A_363, %mul3A_368 : vector<16xf32>
      %broadcast_in_dim3A_370 = arith.constant 31 : i32
      %broadcast_in_dim3A_371 = vector.broadcast %broadcast_in_dim3A_370 : i32 to vector<16xi32>
      %gather3A_372 = tpu.vector_load_idx %arg9[%add3A_182, %broadcast_in_dim3A_371] : memref<512x32xf32, #tpu.memory_space<vmem>>[vector<16xi32>, vector<16xi32>], vector<16xf32>,
      %gather3A_373 = tpu.vector_load_idx %arg10[%add3A_182, %broadcast_in_dim3A_371] : memref<512x32xf32, #tpu.memory_space<vmem>>[vector<16xi32>, vector<16xi32>], vector<16xf32>,
      %mul3A_374 = arith.mulf %gather3A_372, %gather3A_373 : vector<16xf32>
      %add3A_375 = arith.addf %add3A_369, %mul3A_374 : vector<16xf32>
      %neg3A = arith.constant 0.000000e+00 : f32
      %neg3A_376 = vector.broadcast %neg3A : f32 to vector<16xf32>
      %neg3A_377 = arith.subf %neg3A_376, %add3A_375 : vector<16xf32>
      %exp3A = math.exp %neg3A_377 : vector<16xf32>
      %add3A_378 = arith.constant 1.000000e+00 : f32
      %add3A_379 = vector.broadcast %add3A_378 : f32 to vector<16xf32>
      %add3A_380 = arith.addf %add3A_379, %exp3A : vector<16xf32>
      %div3A = arith.constant 1.000000e+00 : f32
      %div3A_381 = vector.broadcast %div3A : f32 to vector<16xf32>
      %div3A_382 = arith.divf %div3A_381, %add3A_380 : vector<16xf32>
      %mul3A_383 = arith.constant 16 : i32
      %mul3A_384 = arith.muli %scan3A_177, %mul3A_383 : i32
      %swap3A = arith.index_cast %mul3A_384 : i32 to index
      %swap3A_385 = tpu.vector_load %arg11[%swap3A] {strides = array<i32>} : memref<512xf32, #tpu.memory_space<vmem>>, vector<16xf32>,
      tpu.vector_store %arg11[%swap3A], %div3A_382 {strides = array<i32>} : memref<512xf32, #tpu.memory_space<vmem>>, vector<16xf32>,
      %scan3A_386 = arith.constant 0 : i32
      scf.yield %scan3A_386 : i32
    }
    %scan3A_176 = arith.constant 32 : i32
    "tpu.region"() ({
      %run_scoped3A = tpu.sem_alloc : memref<!tpu.dma_semaphore, #tpu.memory_space<semaphore_mem>>
      %dma_start3A_177 = tpu.memref_slice %arg5[%mul3A_2] : memref<16384xf32, #tpu.memory_space<hbm>> -> memref<512xf32, #tpu.memory_space<hbm>>
      %dma_start3A_178 = tpu.memref_slice %arg5[%mul3A_2] : memref<16384xf32, #tpu.memory_space<hbm>> -> memref<512xf32, #tpu.memory_space<hbm>>
      tpu.enqueue_dma source(%arg11 : memref<512xf32, #tpu.memory_space<vmem>>) target(%dma_start3A_178 : memref<512xf32, #tpu.memory_space<hbm>>) target_semaphore(%run_scoped3A : memref<!tpu.dma_semaphore, #tpu.memory_space<semaphore_mem>>)
      %dma_wait3A_179 = tpu.memref_slice %arg5[%mul3A_2] : memref<16384xf32, #tpu.memory_space<hbm>> -> memref<512xf32, #tpu.memory_space<hbm>>
      %dma_wait3A_180 = tpu.memref_slice %arg5[%mul3A_2] : memref<16384xf32, #tpu.memory_space<hbm>> -> memref<512xf32, #tpu.memory_space<hbm>>
      tpu.wait_dma2 semaphore(%run_scoped3A : memref<!tpu.dma_semaphore, #tpu.memory_space<semaphore_mem>>) src(%arg11 : memref<512xf32, #tpu.memory_space<vmem>>) dst(%dma_wait3A_180 : memref<512xf32, #tpu.memory_space<hbm>>)
      tpu.yield
    }) : () -> ()
    return
  }
}

</mosaic_0001>

<sc_bundles>
// kernel: kernel.3.cloned.1.call-start
scs
__scs_entry_jumppad:
0x0: {  	(pc) =	sbr.rel $0x88, $3  }
0x1: {  	(tag) =	ssettag $0x0;
	lr =	simm.s32 $0x1  }
0x2: {  	[smem:$0x3F9E] =	sst lr;
	_ =	strace $0xD0000000  }
0x3: {  	_ = 	snop  }
0x4: {  	_ = 	snop  }
0x5: {  	_ = 	snop  }
0x6: {  	_ = 	snop  }
0x7: {  	_ = 	snop  }
__scs_overlays_trampoline_lowered:
0x8: {  	[smem:$0x3FAD] =	sst s0  }
0x9: {  	[smem:$0x3FAE] =	sst s1  }
0xa: {  	[smem:$0x3FAF] =	sst s2  }
0xb: {  	[smem:$0x3FB0] =	sst s3  }
0xc: {  	[smem:$0x3FB1] =	sst s4  }
0xd: {  	[smem:$0x3FB2] =	sst s5  }
0xe: {  	[smem:$0x3FB3] =	sst s6  }
0xf: {  	[smem:$0x3FB4] =	sst s7  }
0x10: {  	[smem:$0x3FB5] =	sst s8  }
0x11: {  	[smem:$0x3FB6] =	sst s9;
	s0 =	simm.s32 @!p0 $0x0  }
0x12: {  	s1 =	sld [smem:$0x3F9C];
	s0 =	simm.s32 @p0 $0x1  }
0x13: {  	[smem:$0x3FB7] =	sst s0;
	s0 =	simm.s32 @!p1 $0x0  }
0x14: {  	s2 =	sld [smem:$0x3F9B];
	s0 =	simm.s32 @p1 $0x1  }
0x15: {  	[smem:$0x3FB8] =	sst s0;
	s0 =	simm.s32 @!p2 $0x0  }
0x16: {  	s3 =	sld [smem:$0x3FDB];
	s0 =	simm.s32 @p2 $0x1  }
0x17: {  	s4 =	simm.s32 $0x1BF5;
	[smem:$0x3FBA] =	sst s0  }
0x18: {  	s0 =	sld [smem:$0x3F9D];
	_ =	swait.ge [sflag:s4], $0x0  }
0x19: {  	s7 =	sld [smem:$0x3F9E]  }
0x1a: {  	s8 =	sadd.s32 $0xFFFFE003, lr  }
0x1b: {  	s9 =	sadd.s32 $0xFFFFFEF7, lr;
	s5 =	simm.s32 $0xFFFFFFFF;
	p2 =	slt.u32 s8, $0xFFFFF086  }
0x1c: {  	p1 =	slt.u32 s9, $0xF7A;
	s5 =	simm.s32 @!p2 $0x0  }
0x1d: {  	s5 =	simm.s32 @p1 $0x1;
	p0 =	seq.s32 s7, s2  }
0x1e: {  	s7 =	smul.u32 @!p0 $0xF7A, s2;
	p2 =	seq.s32 @!p0 s5, $0x0  }
0x1f: {  	s9 =	smul.u32 $0xF7A, s1;
	s8 =	simm.s32 @!p0 $0x1BF5;
	p2 =	por !p2, p0  }
0x20: {  	[sflag:s8] =	ssyncset.s32 @!p0 $0xFFFFF086;
	s6 =	sadd.s32 @!p0 s3, s7;
	s7 =	simm.s32 @!p0 $0x108  }
0x21: {  	s3 =	sadd.s32 s3, s9;
	s6 =	sadd.s32 @!p0 $0x88, s6;
	s7 =	simm.s32 @p2 $0x1082  }
0x22: {  	[simem:s7], [sflag:s8] =	dma.local @!p0 [hbm:s6], $0xF7A  }
0x23: {  	s9 =	sor.u32 $0xD0000000, s2;
	s6 =	simm.s32 $0x108;
	_ =	swait.ge @!p0 [sflag:s8], $0x0  }
0x24: {  	s3 =	sadd.s32 $0x88, s3;
	s6 =	simm.s32 @!p1 $0x1082;
	[sflag:s4] =	ssyncset.s32 $0xFFFFF086  }
0x25: {  	[simem:s6], [sflag:s4] =	dma.local [hbm:s3], $0xF7A  }
0x26: {  	[smem:$0x3F9E] =	sst s1;
	(tag) =	ssettag s2;
	_ =	strace s9  }
0x27: {  	s1 =	sld [smem:$0x3FAE]  }
0x28: {  	s2 =	sld [smem:$0x3FAF]  }
0x29: {  	s4 =	sld [smem:$0x3FB1]  }
0x2a: {  	p0 =	seq.s32 s5, $0x0;
	s5 =	sld [smem:$0x3FB2]  }
0x2b: {  	s6 =	sld [smem:$0x3FB3]  }
0x2c: {  	s7 =	sld [smem:$0x3FB4]  }
0x2d: {  	s3 =	simm.s32 $0x108;
	s8 =	sld [smem:$0x3FB5]  }
0x2e: {  	s3 =	simm.s32 @!p0 $0x1082;
	s9 =	sld [smem:$0x3FB6]  }
0x2f: {  	lr =	sadd.s32 s0, s3;
	s0 =	sld [smem:$0x3FAD]  }
0x30: {  	s3 =	sld [smem:$0x3FB0]  }
0x31: {  	[smem:$0x3FB9] =	sst s10  }
0x32: {  	s10 =	sld [smem:$0x3FB7];
	_ =	sdelay $0x3  }
0x33: {  	p0 =	seq.s32 s10, $0x1;
	s10 =	sld [smem:$0x3FB9];
	_ =	sdelay $0x3  }
0x34: {  	[smem:$0x3FB9] =	sst s10  }
0x35: {  	s10 =	sld [smem:$0x3FB8];
	_ =	sdelay $0x3  }
0x36: {  	p1 =	seq.s32 s10, $0x1;
	s10 =	sld [smem:$0x3FB9];
	_ =	sdelay $0x3  }
0x37: {  	[smem:$0x3FB9] =	sst s10  }
0x38: {  	s10 =	sld [smem:$0x3FBA]  }
0x39: {  	_ = 	snop;
	(pc) =	sbr.ind lr, $3  }
0x3a: {  	_ = 	snop  }
0x3b: {  	_ = 	snop  }
0x3c: {  	p2 =	seq.s32 s10, $0x1;
	s10 =	sld [smem:$0x3FB9]  }
0x3d: {  	_ =	shalt  }
0x3e: {  	_ =	shalt  }
0x3f: {  	_ =	shalt  }
0x40: {  	_ =	shalt  }
0x41: {  	_ =	shalt  }
0x42: {  	_ =	shalt  }
0x43: {  	_ =	shalt  }
0x44: {  	_ =	shalt  }
0x45: {  	_ =	shalt  }
0x46: {  	_ =	shalt  }
0x47: {  	_ =	shalt  }
0x48: {  	_ =	shalt  }
0x49: {  	_ =	shalt  }
0x4a: {  	_ =	shalt  }
0x4b: {  	_ =	shalt  }
0x4c: {  	_ =	shalt  }
0x4d: {  	_ =	shalt  }
0x4e: {  	_ =	shalt  }
0x4f: {  	_ =	shalt  }
0x50: {  	_ =	shalt  }
0x51: {  	_ =	shalt  }
0x52: {  	_ =	shalt  }
0x53: {  	_ =	shalt  }
0x54: {  	_ =	shalt  }
0x55: {  	_ =	shalt  }
0x56: {  	_ =	shalt  }
0x57: {  	_ =	shalt  }
0x58: {  	_ =	shalt  }
0x59: {  	_ =	shalt  }
0x5a: {  	_ =	shalt  }
0x5b: {  	_ =	shalt  }
0x5c: {  	_ =	shalt  }
0x5d: {  	_ =	shalt  }
0x5e: {  	_ =	shalt  }
0x5f: {  	_ =	shalt  }
0x60: {  	_ =	shalt  }
0x61: {  	_ =	shalt  }
0x62: {  	_ =	shalt  }
0x63: {  	_ =	shalt  }
0x64: {  	_ =	shalt  }
0x65: {  	_ =	shalt  }
0x66: {  	_ =	shalt  }
0x67: {  	_ =	shalt  }
0x68: {  	_ =	shalt  }
0x69: {  	_ =	shalt  }
0x6a: {  	_ =	shalt  }
0x6b: {  	_ =	shalt  }
0x6c: {  	_ =	shalt  }
0x6d: {  	_ =	shalt  }
0x6e: {  	_ =	shalt  }
0x6f: {  	_ =	shalt  }
0x70: {  	_ =	shalt  }
0x71: {  	_ =	shalt  }
0x72: {  	_ =	shalt  }
0x73: {  	_ =	shalt  }
0x74: {  	_ =	shalt  }
0x75: {  	_ =	shalt  }
0x76: {  	_ =	shalt  }
0x77: {  	_ =	shalt  }
0x78: {  	_ =	shalt  }
0x79: {  	_ =	shalt  }
0x7a: {  	_ =	shalt  }
0x7b: {  	_ =	shalt  }
0x7c: {  	_ =	shalt  }
0x7d: {  	_ =	shalt  }
0x7e: {  	_ =	shalt  }
0x7f: {  	_ =	shalt  }
0x80: {  	_ =	shalt  }
0x81: {  	_ =	shalt  }
0x82: {  	_ =	shalt  }
0x83: {  	_ =	shalt  }
0x84: {  	_ =	shalt  }
0x85: {  	_ =	shalt  }
0x86: {  	_ =	shalt  }
0x87: {  	_ =	shalt  }
.Lfunc_end0:
.L_simem_size_0:
called_computation_lowered:
.L_overlay_start_0:
0x88: {  	s2 =	sld [smem:$0x3FD9]  }
0x89: {  	s3 =	sld [smem:$0x3FFE];
	_ =	sdelay $0x1  }
0x8a: {  	s1 =	srdreg.scid  }
0x8b: {  	s0 =	sand.u32 $0x1, s1  }
0x8c: {  	s17 =	sshll.u32 s0, $0xA;
	s2 =	sadd.s32 s3, s2  }
0x8d: {  	s2 =	sadd.s32 s2, s17  }
0x8e: {  	[smem:$0x3FC5] =	sst s2  }
0x8f: {  	_ = 	snop  }
0x90: {  	s2 =	sld [smem:$0x3FD0];
	(tm) =	ssettm $0x1  }
0x91: {  	s18 =	sld [smem:$0x3FFB];
	_ =	sdelay $0x3  }
0x92: {  	_ =	strace s18  }
0x93: {  	s3 =	sld [smem:$0x3FFC];
	_ =	sdelay $0x3  }
0x94: {  	_ =	strace s3  }
0x95: {  	s3 =	sld [smem:$0x3FFD];
	_ =	sdelay $0x3  }
0x96: {  	_ =	strace s3  }
0x97: {  	_ =	strace $0x8FFFFFFF  }
0x98: {  	s19 =	sld [smem:$0x3FDB];
	_ =	sdelay $0x1  }
0x99: {  	s4 =	simm.s32 $_scs_section_size  }
0x9a: {  	s5 =	simm.s32 $_size__tile_overlayer_lowered;
	s6 =	simm.s32 $_tile_overlayer_lowered  }
0x9b: {  	s22 =	simm.s32 $0x1BFF;
	s21 =	sshll.u32 s6, $0x1;
	s3 =	sadd.s32 s4, s19  }
0x9c: {  	s7 =	simm.s32 $0x0;
	s20 =	sshll.u32 s5, $0x1;
	s5 =	sadd.s32 s21, s3  }
0x9d: {  	[timem:s7], [sflag:s22] =	dma.local [hbm:s5], s20  }
0x9e: {  	_ =	swait.ge [sflag:s22], s20  }
0x9f: {  	s4 =	ssub.s32 $0x0, s20;
	[sflag:s22] =	ssyncset.done $0x0  }
0xa0: {  	[sflag:s22] =	ssyncadd.s32 s4;
	_ =	sdelay $0x1  }
0xa1: {  	s23 =	simm.s32 $0x1B8B  }
0xa2: {  	_ =	swait.ge [sflag:s23], $0x1  }
0xa3: {  	[sflag:s23] =	ssyncset.done $0x0  }
0xa4: {  	s25 =	simm.s32 $0x1B8E;
	s24 =	sld [smem:$0x3FFE];
	[sflag:s23] =	ssyncadd.s32 $0xFFFFFFFF  }
0xa5: {  	s26 =	simm.s32 $execute0_lowered;
	[smem:$0x3FD2] =	sst s25  }
0xa6: {  	s5 =	sshll.u32 s26, $0x1;
	_ =	strace $0x80000046;
	[dreg:$0x1] =	wrdreg $0xFFFFFFFF  }
0xa7: {  	s28 =	simm.s32 $_size_execute0_lowered;
	s3 =	sadd.s32 s3, s5;
	[dreg:$0x0] =	wrdreg $0x0  }
0xa8: {  	s5 =	sshll.u32 s28, $0x1;
	[dreg:$0x2] =	wrdreg s3  }
0xa9: {  	[dreg:$0x3] =	wrdreg s5  }
0xaa: {  	[dreg:$0x4] =	wrdreg $0xC0  }
0xab: {  	_ =	task [dreg:s7], $0x5FFFF  }
0xac: {  	[dreg:$0x1] =	wrdreg $0xFFFFFFFF  }
0xad: {  	[dreg:$0x0] =	wrdreg $0x60  }
0xae: {  	[dreg:$0x2] =	wrdreg s24  }
0xaf: {  	[dreg:$0x3] =	wrdreg s2  }
0xb0: {  	[dreg:$0x4] =	wrdreg $0x9  }
0xb1: {  	_ =	task.clear_ibuf [dreg:s7], $0x5FFFF;
	_ =	strace $0x90000046  }
0xb2: {  	s29 =	simm.s32 $0x9;
	_ =	strace $0x80000048  }
0xb3: {  	_ =	swait.ge [sflag:s29], $0x1  }
0xb4: {  	[sflag:s29] =	ssyncadd.s32 $0xFFFFFFFF  }
0xb5: {  	_ =	strace $0x90000048  }
0xb6: {  	_ =	sfence  }
0xb7: {  	s30 =	sld [smem:$0x0];
	_ =	sdelay $0x2  }
0xb8: {  	s31 =	sshll.u32 s1, $0xD;
	s1 =	sshrl.u32 s1, $0x2  }
0xb9: {  	s3 =	sand.u32 $0x4000, s31;
	s1 =	sadd.s32 s1, s30  }
0xba: {  	s0 =	sor.u32 s3, s0;
	s1 =	sshll.u32 s1, $0x11  }
0xbb: {  	s0 =	sor.u32 s1, s0  }
0xbc: {  	s0 =	sadd.s32 $0x8F2B, s0  }
0xbd: {  	[sflag:s0] =	ssyncadd.remote.s32 $0x1  }
0xbe: {  	_ =	sfence.sel $0xFFFF  }
0xbf: {  	[dreg:$0x0] =	wrdreg $0xFFFFFFFF;
	(pc) =	sbr.abs _section_cstart, $3  }
0xc0: {  	[dreg:$0x1] =	wrdreg $0xFFFFFFFF  }
0xc1: {  	_ =	task.clear_ibuf [dreg:s7], $0x2FFFF;
	_ =	strace $0x9FFFFFFF  }
0xc2: {  	(tm) =	ssettm $0x7FFFFFFF  }
0xc3: {  	_ =	shalt  }
tec
execute0_lowered:
.L_overlay_start_1:
0x0: {  	(tag) =	ssettag $0x1  }
0x1: {  	s0 =	rddreg [dreg:$0x0]  }
0x2: {  	s6 =	rddreg [dreg:$0x1];
	s3 =	srdreg.scid  }
0x3: {  	s2 =	simm.s32 $0x0;
	s1 =	stileid.u32;
	s10 =	simm.s32 $0x1000  }
0x4: {  	s11 =	simm.s32 $0x1400;
	s12 =	simm.s32 $0x1080;
	s13 =	simm.s32 $0x2400  }
0x5: {  	s14 =	simm.s32 $0x1100;
	s15 =	simm.s32 $0x3400;
	s16 =	simm.s32 $0x1180  }
0x6: {  	s17 =	simm.s32 $0x4400;
	s18 =	simm.s32 $0x1200;
	s19 =	simm.s32 $0x5400  }
0x7: {  	s20 =	simm.s32 $0x1280;
	s21 =	simm.s32 $0x6400;
	s22 =	simm.s32 $0x1300  }
0x8: {  	s23 =	simm.s32 $0x7400;
	s24 =	simm.s32 $0x1380;
	s25 =	simm.s32 $0x8400  }
0x9: {  	s26 =	simm.s32 $0x1;
	s28 =	simm.s32 $0x9400;
	s29 =	simm.s32 $0x0  }
0xa: {  	s3 =	sand.u32 $0x1, s3;
	[smem:$0x7FF] =	sst s2;
	s4 =	sshll.u32 s1, $0xA  }
0xb: {  	s5 =	sshll.u32 s3, $0x9;
	_ =	strace $0x80000047;
	s7 =	ssub.s32 $0x2, s3  }
0xc: {  	s3 =	sadd.s32 $0x1313400, s0;
	s5 =	sor.u32 s5, s4;
	s9 =	sshrl.u32 s7, $0x1  }
0xd: {  	v1 =	vlaneseq.u32;
	s4 =	sadd.s32 $0xF42A00, s0;
	s8 =	sadd.s32 s5, s0;
	s30 =	ssub.s32 s7, s9  }
0xe: {  	v0 =	vmul.u32 $0x8, v1;
	v1 =	vmul.u32 $0x20, v1;
	s31 =	sshrl.u32 s5, $0x3;
	s9 =	simm.s32 $0x80;
	s5 =	sadd.s32 $0x600, s8  }
0xf: {  	s6 =	sadd.s32 s6, s31;
	s7 =	smax.u32 s30, $0x1;
	s8 =	simm.s32 $0x2  }
.LBB2_1:
0x10: {  	v2 =	vmov s2  }
0x11: {  	v2 =	vshll.u32 v2, $0x3  }
0x12: {  	v2 =	vor.u32 v0, v2  }
0x13: {  	[tilespmem:s2], [sflag:$0x2] =	stream.linear.gather [hbm4b:s5+s2], $0x1000, $0x38;
	[tilespmem:$0x9600] =	vst v63  }
0x14: {  	_ =	swait.ge [sflag:s8], $0x1000  }
0x15: {  	[sflag:s8] =	ssyncset.done $0x0  }
0x16: {  	[sflag:s8] =	ssyncadd.s32 $0xFFFFF000  }
0x17: {  	v3 =	vld.idx.msk [tilespmem:v2+s2+$0x0], $0xffff  }
0x18: {  	v2 =	vor.u32 $0x1, v2;
	_ =	sdelay $0x2  }
0x19: {  	s0 =	simm.s32 $0x10  }
0x1a: {  	[tilespmem:s10+$0x0] =	vst v3;
	v3 =	vmov s0  }
0x1b: {  	v2 =	vld.idx.msk [tilespmem:v2+s2+$0x0], $0xffff;
	v3 =	vshll.u32 v3, $0x3  }
0x1c: {  	v3 =	vor.u32 v0, v3;
	_ =	sdelay $0x3  }
0x1d: {  	[tilespmem:s18+$0x0] =	vst v2  }
0x1e: {  	v2 =	vld.idx.msk [tilespmem:v3+s2+$0x0], $0xffff  }
0x1f: {  	v4 =	vor.u32 $0x1, v3;
	_ =	sdelay $0x2  }
0x20: {  	s30 =	simm.s32 $0x1010  }
0x21: {  	s0 =	simm.s32 $0x20;
	[tilespmem:s30+$0x0] =	vst v2  }
0x22: {  	s31 =	simm.s32 $0x1200;
	v3 =	vmov s0;
	s0 =	simm.s32 $0x30;
	v2 =	vld.idx.msk [tilespmem:v4+s2+$0x0], $0xffff  }
.LBB2_2:
0x23: {  	p0 =	sne.s32 s0, $0x1F0;
	v3 =	vshll.u32 v3, $0x3  }
0x24: {  	v3 =	vor.u32 v0, v3;
	_ =	sdelay $0x2  }
0x25: {  	s31 =	sadd.s32 $0x10, s31  }
0x26: {  	[tilespmem:s31+$0x0] =	vst v2  }
0x27: {  	v2 =	vld.idx.msk [tilespmem:v3+s2+$0x0], $0xffff;
	_ =	sdelay $0x1  }
0x28: {  	v4 =	vor.u32 $0x1, v3  }
.Ltmp0:
0x29: {  	(pc) =	sbr.rel @p0 .LBB2_2-.Ltmp0, $4  }
0x2a: {  	_ = 	snop  }
0x2b: {  	s30 =	sadd.s32 $0x10, s30  }
0x2c: {  	[tilespmem:s30+$0x0] =	vst v2  }
0x2d: {  	v3 =	vmov s0;
	s0 =	sadd.s32 $0x10, s0;
	v2 =	vld.idx.msk [tilespmem:v4+s2+$0x0], $0xffff  }
0x2e: {  	v3 =	vshll.u32 v3, $0x3  }
0x2f: {  	v3 =	vor.u32 v0, v3;
	_ =	sdelay $0x2  }
0x30: {  	s0 =	sadd.s32 $0x10, s31  }
0x31: {  	[tilespmem:s0+$0x0] =	vst v2  }
0x32: {  	v2 =	vld.idx.msk [tilespmem:v3+s2+$0x0], $0xffff  }
0x33: {  	v3 =	vor.u32 $0x1, v3;
	_ =	sdelay $0x2  }
0x34: {  	s30 =	sadd.s32 $0x10, s30  }
0x35: {  	[tilespmem:s30+$0x0] =	vst v2  }
0x36: {  	v2 =	vld.idx.msk [tilespmem:v3+s2+$0x0], $0xffff;
	_ =	sdelay $0x3  }
0x37: {  	s0 =	sadd.s32 $0x10, s0  }
0x38: {  	[tilespmem:s0+$0x0] =	vst v2  }
0x39: {  	[tilespmem:s11], [sflag:$0x1] =	stream.indirect.gather [hbm4b:s3+s9], $0x20, s10, s9, $0xb8;
	[tilespmem:$0x9600] =	vst v63  }
0x3a: {  	_ = 	snop  }
0x3b: {  	[tilespmem:s13], [sflag:$0x1] =	stream.indirect.gather [hbm4b:s3+s9], $0x20, s12, s9, $0xb8;
	[tilespmem:$0x9600] =	vst v63  }
0x3c: {  	_ = 	snop  }
0x3d: {  	[tilespmem:s15], [sflag:$0x1] =	stream.indirect.gather [hbm4b:s3+s9], $0x20, s14, s9, $0xb8;
	[tilespmem:$0x9600] =	vst v63  }
0x3e: {  	_ = 	snop  }
0x3f: {  	[tilespmem:s17], [sflag:$0x1] =	stream.indirect.gather [hbm4b:s3+s9], $0x20, s16, s9, $0xb8;
	[tilespmem:$0x9600] =	vst v63  }
0x40: {  	_ = 	snop  }
0x41: {  	[tilespmem:s19], [sflag:$0x1] =	stream.indirect.gather [hbm4b:s4+s9], $0x20, s18, s9, $0xb8;
	[tilespmem:$0x9600] =	vst v63  }
0x42: {  	_ = 	snop  }
0x43: {  	[tilespmem:s21], [sflag:$0x1] =	stream.indirect.gather [hbm4b:s4+s9], $0x20, s20, s9, $0xb8;
	[tilespmem:$0x9600] =	vst v63  }
0x44: {  	_ = 	snop  }
0x45: {  	[tilespmem:s23], [sflag:$0x1] =	stream.indirect.gather [hbm4b:s4+s9], $0x20, s22, s9, $0xb8;
	[tilespmem:$0x9600] =	vst v63  }
0x46: {  	_ = 	snop  }
0x47: {  	[tilespmem:s25], [sflag:$0x1] =	stream.indirect.gather [hbm4b:s4+s9], $0x20, s24, s9, $0xb8;
	[tilespmem:$0x9600] =	vst v63  }
0x48: {  	_ =	swait.ge [sflag:s26], $0x1000  }
0x49: {  	[sflag:s26] =	ssyncset.done $0x0  }
0x4a: {  	[sflag:s26] =	ssyncadd.s32 $0xFFFFF000  }
0x4b: {  	_ =	swait.ge [sflag:s26], $0x1000  }
0x4c: {  	[sflag:s26] =	ssyncset.done $0x0  }
0x4d: {  	[sflag:s26] =	ssyncadd.s32 $0xFFFFF000  }
0x4e: {  	_ =	swait.ge [sflag:s26], $0x1000  }
0x4f: {  	[sflag:s26] =	ssyncset.done $0x0  }
0x50: {  	[sflag:s26] =	ssyncadd.s32 $0xFFFFF000  }
0x51: {  	_ =	swait.ge [sflag:s26], $0x1000  }
0x52: {  	[sflag:s26] =	ssyncset.done $0x0  }
0x53: {  	[sflag:s26] =	ssyncadd.s32 $0xFFFFF000  }
0x54: {  	_ =	swait.ge [sflag:s26], $0x1000  }
0x55: {  	[sflag:s26] =	ssyncset.done $0x0  }
0x56: {  	[sflag:s26] =	ssyncadd.s32 $0xFFFFF000  }
0x57: {  	_ =	swait.ge [sflag:s26], $0x1000  }
0x58: {  	s0 =	simm.s32 $0x0;
	[sflag:s26] =	ssyncset.done $0x0  }
0x59: {  	v2 =	vmov s0;
	[sflag:s26] =	ssyncadd.s32 $0xFFFFF000  }
0x5a: {  	v2 =	vshll.u32 v2, $0x5;
	_ =	swait.ge [sflag:s26], $0x1000  }
0x5b: {  	v2 =	vor.u32 v1, v2;
	[sflag:s26] =	ssyncset.done $0x0  }
0x5c: {  	[sflag:s26] =	ssyncadd.s32 $0xFFFFF000  }
0x5d: {  	v3 =	vor.u32 $0x1, v2;
	_ =	swait.ge [sflag:s26], $0x1000  }
0x5e: {  	[sflag:s26] =	ssyncset.done $0x0  }
0x5f: {  	v4 =	vor.u32 $0x2, v2;
	[sflag:s26] =	ssyncadd.s32 $0xFFFFF000  }
0x60: {  	v5 =	vld.idx.msk [tilespmem:v2+s19+$0x0], $0xffff  }
0x61: {  	v7 =	vor.u32 $0x3, v2;
	v6 =	vld.idx.msk [tilespmem:v2+s11+$0x0], $0xffff  }
0x62: {  	v8 =	vld.idx.msk [tilespmem:v3+s11+$0x0], $0xffff  }
0x63: {  	v9 =	vor.u32 $0x4, v2;
	v3 =	vld.idx.msk [tilespmem:v3+s19+$0x0], $0xffff  }
0x64: {  	v10 =	vld.idx.msk [tilespmem:v4+s11+$0x0], $0xffff  }
0x65: {  	v11 =	vor.u32 $0x5, v2;
	v4 =	vld.idx.msk [tilespmem:v4+s19+$0x0], $0xffff  }
0x66: {  	v12 =	vld.idx.msk [tilespmem:v7+s11+$0x0], $0xffff;
	v5 =	vmul.f32 v5, v6  }
0x67: {  	v31 =	vor.u32 $0x6, v2;
	v30 =	vld.idx.msk [tilespmem:v7+s19+$0x0], $0xffff  }
0x68: {  	v13 =	vld.idx.msk [tilespmem:v9+s11+$0x0], $0xffff;
	v3 =	vmul.f32 v3, v8;
	v5 =	vadd.f32 $0.0e+00, v5  }
0x69: {  	v33 =	vor.u32 $0x7, v2;
	v32 =	vld.idx.msk [tilespmem:v9+s19+$0x0], $0xffff  }
0x6a: {  	v14 =	vld.idx.msk [tilespmem:v11+s11+$0x0], $0xffff;
	v4 =	vmul.f32 v4, v10;
	v3 =	vadd.f32 v3, v5  }
0x6b: {  	v35 =	vor.u32 $0x8, v2;
	v34 =	vld.idx.msk [tilespmem:v11+s19+$0x0], $0xffff  }
0x6c: {  	v36 =	vld.idx.msk [tilespmem:v31+s11+$0x0], $0xffff;
	v37 =	vmul.f32 v30, v12;
	v3 =	vadd.f32 v4, v3  }
0x6d: {  	v39 =	vor.u32 $0x9, v2;
	v38 =	vld.idx.msk [tilespmem:v31+s19+$0x0], $0xffff  }
0x6e: {  	v40 =	vld.idx.msk [tilespmem:v33+s11+$0x0], $0xffff;
	v41 =	vmul.f32 v32, v13;
	v3 =	vadd.f32 v37, v3  }
0x6f: {  	v43 =	vor.u32 $0xA, v2;
	v42 =	vld.idx.msk [tilespmem:v33+s19+$0x0], $0xffff  }
0x70: {  	v44 =	vld.idx.msk [tilespmem:v35+s11+$0x0], $0xffff;
	v45 =	vmul.f32 v34, v14;
	v3 =	vadd.f32 v41, v3  }
0x71: {  	v47 =	vor.u32 $0xB, v2;
	v46 =	vld.idx.msk [tilespmem:v35+s19+$0x0], $0xffff  }
0x72: {  	v48 =	vld.idx.msk [tilespmem:v39+s11+$0x0], $0xffff;
	v49 =	vmul.f32 v38, v36;
	v3 =	vadd.f32 v45, v3  }
0x73: {  	v51 =	vor.u32 $0xC, v2;
	v50 =	vld.idx.msk [tilespmem:v39+s19+$0x0], $0xffff  }
0x74: {  	v52 =	vld.idx.msk [tilespmem:v43+s11+$0x0], $0xffff;
	v53 =	vmul.f32 v42, v40;
	v3 =	vadd.f32 v49, v3  }
0x75: {  	v55 =	vor.u32 $0xD, v2;
	v54 =	vld.idx.msk [tilespmem:v43+s19+$0x0], $0xffff  }
0x76: {  	v56 =	vld.idx.msk [tilespmem:v47+s11+$0x0], $0xffff;
	v57 =	vmul.f32 v46, v44;
	v3 =	vadd.f32 v53, v3  }
0x77: {  	v59 =	vor.u32 $0xE, v2;
	v58 =	vld.idx.msk [tilespmem:v47+s19+$0x0], $0xffff  }
0x78: {  	v60 =	vld.idx.msk [tilespmem:v51+s11+$0x0], $0xffff;
	v61 =	vmul.f32 v50, v48;
	v3 =	vadd.f32 v57, v3  }
0x79: {  	v63 =	vor.u32 $0xF, v2;
	v62 =	vld.idx.msk [tilespmem:v51+s19+$0x0], $0xffff  }
0x7a: {  	v16 =	vld.idx.msk [tilespmem:v55+s11+$0x0], $0xffff;
	v17 =	vmul.f32 v54, v52;
	v3 =	vadd.f32 v61, v3  }
0x7b: {  	v19 =	vor.u32 $0x10, v2;
	v18 =	vld.idx.msk [tilespmem:v55+s19+$0x0], $0xffff  }
0x7c: {  	v20 =	vld.idx.msk [tilespmem:v59+s11+$0x0], $0xffff;
	v21 =	vmul.f32 v58, v56;
	v3 =	vadd.f32 v17, v3  }
0x7d: {  	v23 =	vor.u32 $0x11, v2;
	v22 =	vld.idx.msk [tilespmem:v59+s19+$0x0], $0xffff  }
0x7e: {  	v24 =	vld.idx.msk [tilespmem:v63+s11+$0x0], $0xffff;
	v25 =	vmul.f32 v62, v60;
	v3 =	vadd.f32 v21, v3  }
0x7f: {  	v27 =	vor.u32 $0x12, v2;
	v26 =	vld.idx.msk [tilespmem:v63+s19+$0x0], $0xffff  }
0x80: {  	v28 =	vld.idx.msk [tilespmem:v19+s11+$0x0], $0xffff;
	v29 =	vmul.f32 v18, v16;
	v3 =	vadd.f32 v25, v3  }
0x81: {  	v31 =	vor.u32 $0x13, v2;
	v30 =	vld.idx.msk [tilespmem:v19+s19+$0x0], $0xffff  }
0x82: {  	v32 =	vld.idx.msk [tilespmem:v23+s11+$0x0], $0xffff;
	v33 =	vmul.f32 v22, v20;
	v3 =	vadd.f32 v29, v3  }
0x83: {  	v35 =	vor.u32 $0x14, v2;
	v34 =	vld.idx.msk [tilespmem:v23+s19+$0x0], $0xffff  }
0x84: {  	v36 =	vld.idx.msk [tilespmem:v27+s11+$0x0], $0xffff;
	v37 =	vmul.f32 v26, v24;
	v3 =	vadd.f32 v33, v3  }
0x85: {  	v39 =	vor.u32 $0x15, v2;
	v38 =	vld.idx.msk [tilespmem:v27+s19+$0x0], $0xffff  }
0x86: {  	v40 =	vld.idx.msk [tilespmem:v31+s11+$0x0], $0xffff;
	v41 =	vmul.f32 v30, v28;
	v3 =	vadd.f32 v37, v3  }
0x87: {  	v43 =	vor.u32 $0x16, v2;
	v42 =	vld.idx.msk [tilespmem:v31+s19+$0x0], $0xffff  }
0x88: {  	v44 =	vld.idx.msk [tilespmem:v35+s11+$0x0], $0xffff;
	v45 =	vmul.f32 v34, v32;
	v3 =	vadd.f32 v41, v3  }
0x89: {  	v47 =	vor.u32 $0x17, v2;
	v46 =	vld.idx.msk [tilespmem:v35+s19+$0x0], $0xffff  }
0x8a: {  	v48 =	vld.idx.msk [tilespmem:v39+s11+$0x0], $0xffff;
	v49 =	vmul.f32 v38, v36;
	v3 =	vadd.f32 v45, v3  }
0x8b: {  	v51 =	vor.u32 $0x18, v2;
	v50 =	vld.idx.msk [tilespmem:v39+s19+$0x0], $0xffff  }
0x8c: {  	v52 =	vld.idx.msk [tilespmem:v43+s11+$0x0], $0xffff;
	v53 =	vmul.f32 v42, v40;
	v3 =	vadd.f32 v49, v3  }
0x8d: {  	v55 =	vor.u32 $0x19, v2;
	v54 =	vld.idx.msk [tilespmem:v43+s19+$0x0], $0xffff  }
0x8e: {  	v56 =	vld.idx.msk [tilespmem:v47+s11+$0x0], $0xffff;
	v57 =	vmul.f32 v46, v44;
	v3 =	vadd.f32 v53, v3  }
0x8f: {  	v59 =	vor.u32 $0x1A, v2;
	v58 =	vld.idx.msk [tilespmem:v47+s19+$0x0], $0xffff  }
0x90: {  	v60 =	vld.idx.msk [tilespmem:v51+s11+$0x0], $0xffff;
	v61 =	vmul.f32 v50, v48;
	v3 =	vadd.f32 v57, v3  }
0x91: {  	v63 =	vor.u32 $0x1B, v2;
	v62 =	vld.idx.msk [tilespmem:v51+s19+$0x0], $0xffff  }
0x92: {  	v16 =	vld.idx.msk [tilespmem:v55+s11+$0x0], $0xffff;
	v17 =	vmul.f32 v54, v52;
	v3 =	vadd.f32 v61, v3  }
0x93: {  	v18 =	vld.idx.msk [tilespmem:v55+s19+$0x0], $0xffff;
	v19 =	vor.u32 $0x1C, v2  }
0x94: {  	v20 =	vld.idx.msk [tilespmem:v59+s11+$0x0], $0xffff;
	v21 =	vmul.f32 v58, v56;
	v3 =	vadd.f32 v17, v3  }
0x95: {  	v22 =	vld.idx.msk [tilespmem:v59+s19+$0x0], $0xffff;
	v23 =	vor.u32 $0x1D, v2  }
0x96: {  	v24 =	vld.idx.msk [tilespmem:v63+s11+$0x0], $0xffff;
	v25 =	vmul.f32 v62, v60;
	v3 =	vadd.f32 v21, v3  }
0x97: {  	v27 =	vor.u32 $0x1E, v2;
	v26 =	vld.idx.msk [tilespmem:v63+s19+$0x0], $0xffff  }
0x98: {  	v28 =	vld.idx.msk [tilespmem:v19+s11+$0x0], $0xffff;
	v29 =	vmul.f32 v18, v16;
	v3 =	vadd.f32 v25, v3  }
0x99: {  	v2 =	vor.u32 $0x1F, v2;
	v30 =	vld.idx.msk [tilespmem:v19+s19+$0x0], $0xffff  }
0x9a: {  	v31 =	vld.idx.msk [tilespmem:v23+s11+$0x0], $0xffff;
	v32 =	vmul.f32 v22, v20;
	v3 =	vadd.f32 v29, v3  }
0x9b: {  	v33 =	vld.idx.msk [tilespmem:v23+s19+$0x0], $0xffff  }
0x9c: {  	v34 =	vld.idx.msk [tilespmem:v27+s11+$0x0], $0xffff;
	v35 =	vmul.f32 v26, v24;
	v3 =	vadd.f32 v32, v3  }
0x9d: {  	v36 =	vld.idx.msk [tilespmem:v27+s19+$0x0], $0xffff  }
0x9e: {  	v38 =	vmul.f32 v30, v28;
	v37 =	vld.idx.msk [tilespmem:v2+s11+$0x0], $0xffff;
	v3 =	vadd.f32 v35, v3  }
0x9f: {  	v2 =	vld.idx.msk [tilespmem:v2+s19+$0x0], $0xffff  }
0xa0: {  	v39 =	vmul.f32 v33, v31;
	v3 =	vadd.f32 v38, v3;
	_ =	sdelay $0x1  }
0xa1: {  	v40 =	vmul.f32 v36, v34;
	v3 =	vadd.f32 v39, v3;
	_ =	sdelay $0x1  }
0xa2: {  	v2 =	vmul.f32 v2, v37;
	v3 =	vadd.f32 v40, v3;
	_ =	sdelay $0x1  }
0xa3: {  	v2 =	vadd.f32 v2, v3;
	_ =	sdelay $0x1  }
0xa4: {  	v2 =	vsub.f32 $0.0e+00, v2;
	_ =	sdelay $0x1  }
0xa5: {  	v2 =	vmul.f32 $1.442695020e+00, v2;
	_ =	sdelay $0x1  }
0xa6: {  	(erf) = vpow2.f32 v2;
	_ =	sdelay $0x8  }
0xa7: {  	v2 =	vpop (erf)  }
0xa8: {  	v2 =	vadd.f32 $1.000000000e+00, v2;
	_ =	sdelay $0x1  }
0xa9: {  	(erf) = vrcp.f32 v2;
	_ =	sdelay $0x2  }
0xaa: {  	s0 =	simm.s32 $0x10  }
0xab: {  	v2 =	vmov s0  }
0xac: {  	v2 =	vshll.u32 v2, $0x5  }
0xad: {  	v2 =	vor.u32 v1, v2;
	_ =	sdelay $0x1  }
0xae: {  	v3 =	vor.u32 $0x1, v2  }
0xaf: {  	s30 =	simm.s32 $0x9400;
	v41 =	vpop (erf)  }
0xb0: {  	v42 =	vor.u32 $0x2, v2;
	[tilespmem:s30+$0x0] =	vst v41  }
0xb1: {  	v4 =	vld.idx.msk [tilespmem:v2+s19+$0x0], $0xffff  }
0xb2: {  	v44 =	vor.u32 $0x3, v2;
	v43 =	vld.idx.msk [tilespmem:v2+s11+$0x0], $0xffff  }
0xb3: {  	v45 =	vld.idx.msk [tilespmem:v3+s11+$0x0], $0xffff  }
0xb4: {  	v46 =	vor.u32 $0x4, v2;
	v3 =	vld.idx.msk [tilespmem:v3+s19+$0x0], $0xffff  }
0xb5: {  	v47 =	vld.idx.msk [tilespmem:v42+s11+$0x0], $0xffff  }
0xb6: {  	v48 =	vor.u32 $0x5, v2;
	v5 =	vld.idx.msk [tilespmem:v42+s19+$0x0], $0xffff  }
0xb7: {  	v49 =	vld.idx.msk [tilespmem:v44+s11+$0x0], $0xffff;
	v4 =	vmul.f32 v4, v43  }
0xb8: {  	v51 =	vor.u32 $0x6, v2;
	v50 =	vld.idx.msk [tilespmem:v44+s19+$0x0], $0xffff  }
0xb9: {  	v52 =	vld.idx.msk [tilespmem:v46+s11+$0x0], $0xffff;
	v3 =	vmul.f32 v3, v45;
	v4 =	vadd.f32 $0.0e+00, v4  }
0xba: {  	v54 =	vor.u32 $0x7, v2;
	v53 =	vld.idx.msk [tilespmem:v46+s19+$0x0], $0xffff  }
0xbb: {  	v55 =	vld.idx.msk [tilespmem:v48+s11+$0x0], $0xffff;
	v56 =	vmul.f32 v5, v47;
	v3 =	vadd.f32 v3, v4  }
0xbc: {  	v58 =	vor.u32 $0x8, v2;
	v57 =	vld.idx.msk [tilespmem:v48+s19+$0x0], $0xffff  }
0xbd: {  	v59 =	vld.idx.msk [tilespmem:v51+s11+$0x0], $0xffff;
	v60 =	vmul.f32 v50, v49;
	v3 =	vadd.f32 v56, v3  }
0xbe: {  	v62 =	vor.u32 $0x9, v2;
	v61 =	vld.idx.msk [tilespmem:v51+s19+$0x0], $0xffff  }
0xbf: {  	v63 =	vld.idx.msk [tilespmem:v54+s11+$0x0], $0xffff;
	v16 =	vmul.f32 v53, v52;
	v3 =	vadd.f32 v60, v3  }
0xc0: {  	v18 =	vor.u32 $0xA, v2;
	v17 =	vld.idx.msk [tilespmem:v54+s19+$0x0], $0xffff  }
0xc1: {  	v19 =	vld.idx.msk [tilespmem:v58+s11+$0x0], $0xffff;
	v20 =	vmul.f32 v57, v55;
	v3 =	vadd.f32 v16, v3  }
0xc2: {  	v22 =	vor.u32 $0xB, v2;
	v21 =	vld.idx.msk [tilespmem:v58+s19+$0x0], $0xffff  }
0xc3: {  	v23 =	vld.idx.msk [tilespmem:v62+s11+$0x0], $0xffff;
	v24 =	vmul.f32 v61, v59;
	v3 =	vadd.f32 v20, v3  }
0xc4: {  	v26 =	vor.u32 $0xC, v2;
	v25 =	vld.idx.msk [tilespmem:v62+s19+$0x0], $0xffff  }
0xc5: {  	v27 =	vld.idx.msk [tilespmem:v18+s11+$0x0], $0xffff;
	v28 =	vmul.f32 v17, v63;
	v3 =	vadd.f32 v24, v3  }
0xc6: {  	v30 =	vor.u32 $0xD, v2;
	v29 =	vld.idx.msk [tilespmem:v18+s19+$0x0], $0xffff  }
0xc7: {  	v31 =	vld.idx.msk [tilespmem:v22+s11+$0x0], $0xffff;
	v32 =	vmul.f32 v21, v19;
	v3 =	vadd.f32 v28, v3  }
0xc8: {  	v34 =	vor.u32 $0xE, v2;
	v33 =	vld.idx.msk [tilespmem:v22+s19+$0x0], $0xffff  }
0xc9: {  	v35 =	vld.idx.msk [tilespmem:v26+s11+$0x0], $0xffff;
	v36 =	vmul.f32 v25, v23;
	v3 =	vadd.f32 v32, v3  }
0xca: {  	v38 =	vor.u32 $0xF, v2;
	v37 =	vld.idx.msk [tilespmem:v26+s19+$0x0], $0xffff  }
0xcb: {  	v39 =	vld.idx.msk [tilespmem:v30+s11+$0x0], $0xffff;
	v40 =	vmul.f32 v29, v27;
	v3 =	vadd.f32 v36, v3  }
0xcc: {  	v41 =	vld.idx.msk [tilespmem:v30+s19+$0x0], $0xffff;
	v42 =	vor.u32 $0x10, v2  }
0xcd: {  	v43 =	vld.idx.msk [tilespmem:v34+s11+$0x0], $0xffff;
	v44 =	vmul.f32 v33, v31;
	v3 =	vadd.f32 v40, v3  }
0xce: {  	v46 =	vor.u32 $0x11, v2;
	v45 =	vld.idx.msk [tilespmem:v34+s19+$0x0], $0xffff  }
0xcf: {  	v47 =	vld.idx.msk [tilespmem:v38+s11+$0x0], $0xffff;
	v48 =	vmul.f32 v37, v35;
	v3 =	vadd.f32 v44, v3  }
0xd0: {  	v49 =	vld.idx.msk [tilespmem:v38+s19+$0x0], $0xffff;
	v50 =	vor.u32 $0x12, v2  }
0xd1: {  	v51 =	vld.idx.msk [tilespmem:v42+s11+$0x0], $0xffff;
	v52 =	vmul.f32 v41, v39;
	v3 =	vadd.f32 v48, v3  }
0xd2: {  	v54 =	vor.u32 $0x13, v2;
	v53 =	vld.idx.msk [tilespmem:v42+s19+$0x0], $0xffff  }
0xd3: {  	v55 =	vld.idx.msk [tilespmem:v46+s11+$0x0], $0xffff;
	v56 =	vmul.f32 v45, v43;
	v3 =	vadd.f32 v52, v3  }
0xd4: {  	v58 =	vor.u32 $0x14, v2;
	v57 =	vld.idx.msk [tilespmem:v46+s19+$0x0], $0xffff  }
0xd5: {  	v59 =	vld.idx.msk [tilespmem:v50+s11+$0x0], $0xffff;
	v60 =	vmul.f32 v49, v47;
	v3 =	vadd.f32 v56, v3  }
0xd6: {  	v62 =	vor.u32 $0x15, v2;
	v61 =	vld.idx.msk [tilespmem:v50+s19+$0x0], $0xffff  }
0xd7: {  	v63 =	vld.idx.msk [tilespmem:v54+s11+$0x0], $0xffff;
	v16 =	vmul.f32 v53, v51;
	v3 =	vadd.f32 v60, v3  }
0xd8: {  	v18 =	vor.u32 $0x16, v2;
	v17 =	vld.idx.msk [tilespmem:v54+s19+$0x0], $0xffff  }
0xd9: {  	v19 =	vld.idx.msk [tilespmem:v58+s11+$0x0], $0xffff;
	v20 =	vmul.f32 v57, v55;
	v3 =	vadd.f32 v16, v3  }
0xda: {  	v22 =	vor.u32 $0x17, v2;
	v21 =	vld.idx.msk [tilespmem:v58+s19+$0x0], $0xffff  }
0xdb: {  	v23 =	vld.idx.msk [tilespmem:v62+s11+$0x0], $0xffff;
	v24 =	vmul.f32 v61, v59;
	v3 =	vadd.f32 v20, v3  }
0xdc: {  	v26 =	vor.u32 $0x18, v2;
	v25 =	vld.idx.msk [tilespmem:v62+s19+$0x0], $0xffff  }
0xdd: {  	v27 =	vld.idx.msk [tilespmem:v18+s11+$0x0], $0xffff;
	v28 =	vmul.f32 v17, v63;
	v3 =	vadd.f32 v24, v3  }
0xde: {  	v30 =	vor.u32 $0x19, v2;
	v29 =	vld.idx.msk [tilespmem:v18+s19+$0x0], $0xffff  }
0xdf: {  	v31 =	vld.idx.msk [tilespmem:v22+s11+$0x0], $0xffff;
	v32 =	vmul.f32 v21, v19;
	v3 =	vadd.f32 v28, v3  }
0xe0: {  	v33 =	vld.idx.msk [tilespmem:v22+s19+$0x0], $0xffff;
	v34 =	vor.u32 $0x1A, v2  }
0xe1: {  	v35 =	vld.idx.msk [tilespmem:v26+s11+$0x0], $0xffff;
	v36 =	vmul.f32 v25, v23;
	v3 =	vadd.f32 v32, v3  }
0xe2: {  	v37 =	vld.idx.msk [tilespmem:v26+s19+$0x0], $0xffff;
	v38 =	vor.u32 $0x1B, v2  }
0xe3: {  	v39 =	vld.idx.msk [tilespmem:v30+s11+$0x0], $0xffff;
	v40 =	vmul.f32 v29, v27;
	v3 =	vadd.f32 v36, v3  }
0xe4: {  	v41 =	vld.idx.msk [tilespmem:v30+s19+$0x0], $0xffff;
	v42 =	vor.u32 $0x1C, v2  }
0xe5: {  	v43 =	vld.idx.msk [tilespmem:v34+s11+$0x0], $0xffff;
	v44 =	vmul.f32 v33, v31;
	v3 =	vadd.f32 v40, v3  }
0xe6: {  	v46 =	vor.u32 $0x1D, v2;
	v45 =	vld.idx.msk [tilespmem:v34+s19+$0x0], $0xffff  }
0xe7: {  	v47 =	vld.idx.msk [tilespmem:v38+s11+$0x0], $0xffff;
	v48 =	vmul.f32 v37, v35;
	v3 =	vadd.f32 v44, v3  }
0xe8: {  	v50 =	vor.u32 $0x1E, v2;
	v49 =	vld.idx.msk [tilespmem:v38+s19+$0x0], $0xffff  }
0xe9: {  	v51 =	vld.idx.msk [tilespmem:v42+s11+$0x0], $0xffff;
	v52 =	vmul.f32 v41, v39;
	v3 =	vadd.f32 v48, v3  }
0xea: {  	v2 =	vor.u32 $0x1F, v2;
	v53 =	vld.idx.msk [tilespmem:v42+s19+$0x0], $0xffff  }
0xeb: {  	v54 =	vld.idx.msk [tilespmem:v46+s11+$0x0], $0xffff;
	v55 =	vmul.f32 v45, v43;
	v3 =	vadd.f32 v52, v3  }
0xec: {  	v56 =	vld.idx.msk [tilespmem:v46+s19+$0x0], $0xffff  }
0xed: {  	v57 =	vld.idx.msk [tilespmem:v50+s11+$0x0], $0xffff;
	v58 =	vmul.f32 v49, v47;
	v3 =	vadd.f32 v55, v3  }
0xee: {  	v59 =	vld.idx.msk [tilespmem:v50+s19+$0x0], $0xffff  }
0xef: {  	v61 =	vmul.f32 v53, v51;
	v60 =	vld.idx.msk [tilespmem:v2+s11+$0x0], $0xffff;
	v3 =	vadd.f32 v58, v3  }
0xf0: {  	v2 =	vld.idx.msk [tilespmem:v2+s19+$0x0], $0xffff  }
0xf1: {  	v62 =	vmul.f32 v56, v54;
	v3 =	vadd.f32 v61, v3;
	_ =	sdelay $0x1  }
0xf2: {  	v63 =	vmul.f32 v59, v57;
	v3 =	vadd.f32 v62, v3;
	_ =	sdelay $0x1  }
0xf3: {  	v2 =	vmul.f32 v2, v60;
	v3 =	vadd.f32 v63, v3;
	_ =	sdelay $0x1  }
0xf4: {  	v2 =	vadd.f32 v2, v3;
	_ =	sdelay $0x1  }
0xf5: {  	v2 =	vsub.f32 $0.0e+00, v2;
	_ =	sdelay $0x1  }
0xf6: {  	v2 =	vmul.f32 $1.442695020e+00, v2;
	_ =	sdelay $0x1  }
0xf7: {  	(erf) = vpow2.f32 v2;
	_ =	sdelay $0x8  }
0xf8: {  	v2 =	vpop (erf)  }
0xf9: {  	v2 =	vadd.f32 $1.000000000e+00, v2;
	_ =	sdelay $0x1  }
0xfa: {  	(erf) = vrcp.f32 v2;
	_ =	sdelay $0x2  }
0xfb: {  	s0 =	simm.s32 $0x20  }
0xfc: {  	v3 =	vmov s0  }
0xfd: {  	s31 =	simm.s32 $0x30;
	v2 =	vshll.u32 v3, $0x5  }
.LBB2_4:
0xfe: {  	p0 =	sne.s32 s31, $0x1F0;
	v2 =	vor.u32 v1, v2;
	_ =	sdelay $0x1  }
0xff: {  	v3 =	vor.u32 $0x1, v2  }
0x100: {  	s30 =	sadd.s32 $0x10, s30;
	v4 =	vpop (erf)  }
0x101: {  	v5 =	vor.u32 $0x2, v2;
	[tilespmem:s30+$0x0] =	vst v4  }
0x102: {  	v4 =	vld.idx.msk [tilespmem:v2+s19+$0x0], $0xffff  }
0x103: {  	v7 =	vor.u32 $0x3, v2;
	v6 =	vld.idx.msk [tilespmem:v2+s11+$0x0], $0xffff  }
0x104: {  	v8 =	vld.idx.msk [tilespmem:v3+s11+$0x0], $0xffff  }
0x105: {  	v9 =	vor.u32 $0x4, v2;
	v3 =	vld.idx.msk [tilespmem:v3+s19+$0x0], $0xffff  }
0x106: {  	v10 =	vld.idx.msk [tilespmem:v5+s11+$0x0], $0xffff  }
0x107: {  	v11 =	vor.u32 $0x5, v2;
	v5 =	vld.idx.msk [tilespmem:v5+s19+$0x0], $0xffff  }
0x108: {  	v12 =	vld.idx.msk [tilespmem:v7+s11+$0x0], $0xffff  }
0x109: {  	v4 =	vmul.f32 v4, v6;
	v6 =	vld.idx.msk [tilespmem:v7+s19+$0x0], $0xffff;
	v7 =	vor.u32 $0x6, v2  }
0x10a: {  	v13 =	vld.idx.msk [tilespmem:v9+s11+$0x0], $0xffff  }
0x10b: {  	v4 =	vadd.f32 $0.0e+00, v4;
	v3 =	vmul.f32 v3, v8;
	v8 =	vld.idx.msk [tilespmem:v9+s19+$0x0], $0xffff;
	v9 =	vor.u32 $0x7, v2  }
0x10c: {  	v14 =	vld.idx.msk [tilespmem:v11+s11+$0x0], $0xffff  }
0x10d: {  	v3 =	vadd.f32 v3, v4;
	v4 =	vmul.f32 v5, v10;
	v10 =	vor.u32 $0x8, v2;
	v5 =	vld.idx.msk [tilespmem:v11+s19+$0x0], $0xffff  }
0x10e: {  	v11 =	vld.idx.msk [tilespmem:v7+s11+$0x0], $0xffff  }
0x10f: {  	v3 =	vadd.f32 v4, v3;
	v4 =	vmul.f32 v6, v12;
	v6 =	vld.idx.msk [tilespmem:v7+s19+$0x0], $0xffff;
	v7 =	vor.u32 $0x9, v2  }
0x110: {  	v12 =	vld.idx.msk [tilespmem:v9+s11+$0x0], $0xffff  }
0x111: {  	v3 =	vadd.f32 v4, v3;
	v4 =	vmul.f32 v8, v13;
	v8 =	vld.idx.msk [tilespmem:v9+s19+$0x0], $0xffff;
	v9 =	vor.u32 $0xA, v2  }
0x112: {  	v13 =	vld.idx.msk [tilespmem:v10+s11+$0x0], $0xffff  }
0x113: {  	v3 =	vadd.f32 v4, v3;
	v4 =	vmul.f32 v5, v14;
	v5 =	vld.idx.msk [tilespmem:v10+s19+$0x0], $0xffff;
	v10 =	vor.u32 $0xB, v2  }
0x114: {  	v14 =	vld.idx.msk [tilespmem:v7+s11+$0x0], $0xffff  }
0x115: {  	v3 =	vadd.f32 v4, v3;
	v4 =	vmul.f32 v6, v11;
	v6 =	vld.idx.msk [tilespmem:v7+s19+$0x0], $0xffff;
	v7 =	vor.u32 $0xC, v2  }
0x116: {  	v11 =	vld.idx.msk [tilespmem:v9+s11+$0x0], $0xffff  }
0x117: {  	v3 =	vadd.f32 v4, v3;
	v4 =	vmul.f32 v8, v12;
	v8 =	vld.idx.msk [tilespmem:v9+s19+$0x0], $0xffff;
	v9 =	vor.u32 $0xD, v2  }
0x118: {  	v12 =	vld.idx.msk [tilespmem:v10+s11+$0x0], $0xffff  }
0x119: {  	v3 =	vadd.f32 v4, v3;
	v4 =	vmul.f32 v5, v13;
	v5 =	vld.idx.msk [tilespmem:v10+s19+$0x0], $0xffff;
	v10 =	vor.u32 $0xE, v2  }
0x11a: {  	v13 =	vld.idx.msk [tilespmem:v7+s11+$0x0], $0xffff  }
0x11b: {  	v3 =	vadd.f32 v4, v3;
	v4 =	vmul.f32 v6, v14;
	v6 =	vld.idx.msk [tilespmem:v7+s19+$0x0], $0xffff;
	v7 =	vor.u32 $0xF, v2  }
0x11c: {  	v14 =	vld.idx.msk [tilespmem:v9+s11+$0x0], $0xffff  }
0x11d: {  	v3 =	vadd.f32 v4, v3;
	v4 =	vmul.f32 v8, v11;
	v8 =	vld.idx.msk [tilespmem:v9+s19+$0x0], $0xffff;
	v9 =	vor.u32 $0x10, v2  }
0x11e: {  	v11 =	vld.idx.msk [tilespmem:v10+s11+$0x0], $0xffff  }
0x11f: {  	v3 =	vadd.f32 v4, v3;
	v4 =	vmul.f32 v5, v12;
	v5 =	vld.idx.msk [tilespmem:v10+s19+$0x0], $0xffff;
	v10 =	vor.u32 $0x11, v2  }
0x120: {  	v12 =	vld.idx.msk [tilespmem:v7+s11+$0x0], $0xffff  }
0x121: {  	v3 =	vadd.f32 v4, v3;
	v4 =	vmul.f32 v6, v13;
	v6 =	vld.idx.msk [tilespmem:v7+s19+$0x0], $0xffff;
	v7 =	vor.u32 $0x12, v2  }
0x122: {  	v13 =	vld.idx.msk [tilespmem:v9+s11+$0x0], $0xffff  }
0x123: {  	v3 =	vadd.f32 v4, v3;
	v4 =	vmul.f32 v8, v14;
	v8 =	vld.idx.msk [tilespmem:v9+s19+$0x0], $0xffff;
	v9 =	vor.u32 $0x13, v2  }
0x124: {  	v14 =	vld.idx.msk [tilespmem:v10+s11+$0x0], $0xffff  }
0x125: {  	v3 =	vadd.f32 v4, v3;
	v4 =	vmul.f32 v5, v11;
	v5 =	vld.idx.msk [tilespmem:v10+s19+$0x0], $0xffff;
	v10 =	vor.u32 $0x14, v2  }
0x126: {  	v11 =	vld.idx.msk [tilespmem:v7+s11+$0x0], $0xffff  }
0x127: {  	v3 =	vadd.f32 v4, v3;
	v4 =	vmul.f32 v6, v12;
	v6 =	vld.idx.msk [tilespmem:v7+s19+$0x0], $0xffff;
	v7 =	vor.u32 $0x15, v2  }
0x128: {  	v12 =	vld.idx.msk [tilespmem:v9+s11+$0x0], $0xffff  }
0x129: {  	v3 =	vadd.f32 v4, v3;
	v4 =	vmul.f32 v8, v13;
	v8 =	vld.idx.msk [tilespmem:v9+s19+$0x0], $0xffff;
	v9 =	vor.u32 $0x16, v2  }
0x12a: {  	v13 =	vld.idx.msk [tilespmem:v10+s11+$0x0], $0xffff  }
0x12b: {  	v3 =	vadd.f32 v4, v3;
	v4 =	vmul.f32 v5, v14;
	v5 =	vld.idx.msk [tilespmem:v10+s19+$0x0], $0xffff;
	v10 =	vor.u32 $0x17, v2  }
0x12c: {  	v14 =	vld.idx.msk [tilespmem:v7+s11+$0x0], $0xffff  }
0x12d: {  	v3 =	vadd.f32 v4, v3;
	v4 =	vmul.f32 v6, v11;
	v6 =	vld.idx.msk [tilespmem:v7+s19+$0x0], $0xffff;
	v7 =	vor.u32 $0x18, v2  }
0x12e: {  	v11 =	vld.idx.msk [tilespmem:v9+s11+$0x0], $0xffff  }
0x12f: {  	v3 =	vadd.f32 v4, v3;
	v4 =	vmul.f32 v8, v12;
	v8 =	vld.idx.msk [tilespmem:v9+s19+$0x0], $0xffff;
	v9 =	vor.u32 $0x19, v2  }
0x130: {  	v12 =	vld.idx.msk [tilespmem:v10+s11+$0x0], $0xffff  }
0x131: {  	v3 =	vadd.f32 v4, v3;
	v4 =	vmul.f32 v5, v13;
	v5 =	vld.idx.msk [tilespmem:v10+s19+$0x0], $0xffff;
	v10 =	vor.u32 $0x1A, v2  }
0x132: {  	v13 =	vld.idx.msk [tilespmem:v7+s11+$0x0], $0xffff  }
0x133: {  	v3 =	vadd.f32 v4, v3;
	v4 =	vmul.f32 v6, v14;
	v6 =	vld.idx.msk [tilespmem:v7+s19+$0x0], $0xffff;
	v7 =	vor.u32 $0x1B, v2  }
0x134: {  	v14 =	vld.idx.msk [tilespmem:v9+s11+$0x0], $0xffff  }
0x135: {  	v3 =	vadd.f32 v4, v3;
	v4 =	vmul.f32 v8, v11;
	v8 =	vld.idx.msk [tilespmem:v9+s19+$0x0], $0xffff;
	v9 =	vor.u32 $0x1C, v2  }
0x136: {  	v11 =	vld.idx.msk [tilespmem:v10+s11+$0x0], $0xffff  }
0x137: {  	v3 =	vadd.f32 v4, v3;
	v4 =	vmul.f32 v5, v12;
	v5 =	vld.idx.msk [tilespmem:v10+s19+$0x0], $0xffff;
	v10 =	vor.u32 $0x1D, v2  }
0x138: {  	v12 =	vld.idx.msk [tilespmem:v7+s11+$0x0], $0xffff  }
0x139: {  	v3 =	vadd.f32 v4, v3;
	v4 =	vmul.f32 v6, v13;
	v6 =	vld.idx.msk [tilespmem:v7+s19+$0x0], $0xffff;
	v7 =	vor.u32 $0x1E, v2  }
0x13a: {  	v13 =	vld.idx.msk [tilespmem:v9+s11+$0x0], $0xffff  }
0x13b: {  	v2 =	vor.u32 $0x1F, v2;
	v3 =	vadd.f32 v4, v3;
	v4 =	vmul.f32 v8, v14;
	v8 =	vld.idx.msk [tilespmem:v9+s19+$0x0], $0xffff  }
0x13c: {  	v9 =	vld.idx.msk [tilespmem:v10+s11+$0x0], $0xffff  }
0x13d: {  	v3 =	vadd.f32 v4, v3;
	v4 =	vmul.f32 v5, v11;
	v5 =	vld.idx.msk [tilespmem:v10+s19+$0x0], $0xffff  }
0x13e: {  	v10 =	vld.idx.msk [tilespmem:v7+s11+$0x0], $0xffff  }
0x13f: {  	v3 =	vadd.f32 v4, v3;
	v4 =	vmul.f32 v6, v12;
	v6 =	vld.idx.msk [tilespmem:v7+s19+$0x0], $0xffff  }
0x140: {  	v7 =	vld.idx.msk [tilespmem:v2+s11+$0x0], $0xffff  }
0x141: {  	v3 =	vadd.f32 v4, v3;
	v4 =	vmul.f32 v8, v13;
	v2 =	vld.idx.msk [tilespmem:v2+s19+$0x0], $0xffff;
	_ =	sdelay $0x1  }
0x142: {  	v3 =	vadd.f32 v4, v3;
	v4 =	vmul.f32 v5, v9;
	_ =	sdelay $0x1  }
0x143: {  	v3 =	vadd.f32 v4, v3;
	v4 =	vmul.f32 v6, v10;
	_ =	sdelay $0x1  }
0x144: {  	v3 =	vadd.f32 v4, v3;
	v2 =	vmul.f32 v2, v7;
	_ =	sdelay $0x1  }
0x145: {  	v2 =	vadd.f32 v2, v3;
	_ =	sdelay $0x1  }
0x146: {  	v2 =	vsub.f32 $0.0e+00, v2;
	_ =	sdelay $0x1  }
0x147: {  	v2 =	vmul.f32 $1.442695020e+00, v2;
	_ =	sdelay $0x1  }
0x148: {  	(erf) = vpow2.f32 v2;
	_ =	sdelay $0x8  }
0x149: {  	v2 =	vpop (erf)  }
0x14a: {  	v2 =	vadd.f32 $1.000000000e+00, v2;
	_ =	sdelay $0x1  }
0x14b: {  	(erf) = vrcp.f32 v2  }
.Ltmp1:
0x14c: {  	(pc) =	sbr.rel @p0 .LBB2_4-.Ltmp1, $3  }
0x14d: {  	_ =	sdelay $0x1  }
0x14e: {  	v2 =	vmov s31  }
0x14f: {  	s31 =	sadd.s32 $0x10, s31;
	v2 =	vshll.u32 v2, $0x5  }
0x150: {  	v2 =	vor.u32 v1, v2;
	_ =	sdelay $0x1  }
0x151: {  	v3 =	vor.u32 $0x1, v2  }
0x152: {  	s30 =	sadd.s32 $0x10, s30;
	v4 =	vpop (erf)  }
0x153: {  	v5 =	vor.u32 $0x2, v2;
	[tilespmem:s30+$0x0] =	vst v4  }
0x154: {  	v4 =	vld.idx.msk [tilespmem:v2+s19+$0x0], $0xffff  }
0x155: {  	v7 =	vor.u32 $0x3, v2;
	v6 =	vld.idx.msk [tilespmem:v2+s11+$0x0], $0xffff  }
0x156: {  	v8 =	vld.idx.msk [tilespmem:v3+s11+$0x0], $0xffff  }
0x157: {  	v9 =	vor.u32 $0x4, v2;
	v3 =	vld.idx.msk [tilespmem:v3+s19+$0x0], $0xffff  }
0x158: {  	v10 =	vld.idx.msk [tilespmem:v5+s11+$0x0], $0xffff  }
0x159: {  	v11 =	vor.u32 $0x5, v2;
	v5 =	vld.idx.msk [tilespmem:v5+s19+$0x0], $0xffff  }
0x15a: {  	v12 =	vld.idx.msk [tilespmem:v7+s11+$0x0], $0xffff;
	v4 =	vmul.f32 v4, v6  }
0x15b: {  	v53 =	vor.u32 $0x6, v2;
	v52 =	vld.idx.msk [tilespmem:v7+s19+$0x0], $0xffff  }
0x15c: {  	v13 =	vld.idx.msk [tilespmem:v9+s11+$0x0], $0xffff;
	v3 =	vmul.f32 v3, v8;
	v4 =	vadd.f32 $0.0e+00, v4  }
0x15d: {  	v55 =	vor.u32 $0x7, v2;
	v54 =	vld.idx.msk [tilespmem:v9+s19+$0x0], $0xffff  }
0x15e: {  	v14 =	vld.idx.msk [tilespmem:v11+s11+$0x0], $0xffff;
	v56 =	vmul.f32 v5, v10;
	v3 =	vadd.f32 v3, v4  }
0x15f: {  	v58 =	vor.u32 $0x8, v2;
	v57 =	vld.idx.msk [tilespmem:v11+s19+$0x0], $0xffff  }
0x160: {  	v59 =	vld.idx.msk [tilespmem:v53+s11+$0x0], $0xffff;
	v60 =	vmul.f32 v52, v12;
	v3 =	vadd.f32 v56, v3  }
0x161: {  	v62 =	vor.u32 $0x9, v2;
	v61 =	vld.idx.msk [tilespmem:v53+s19+$0x0], $0xffff  }
0x162: {  	v63 =	vld.idx.msk [tilespmem:v55+s11+$0x0], $0xffff;
	v16 =	vmul.f32 v54, v13;
	v3 =	vadd.f32 v60, v3  }
0x163: {  	v18 =	vor.u32 $0xA, v2;
	v17 =	vld.idx.msk [tilespmem:v55+s19+$0x0], $0xffff  }
0x164: {  	v19 =	vld.idx.msk [tilespmem:v58+s11+$0x0], $0xffff;
	v20 =	vmul.f32 v57, v14;
	v3 =	vadd.f32 v16, v3  }
0x165: {  	v22 =	vor.u32 $0xB, v2;
	v21 =	vld.idx.msk [tilespmem:v58+s19+$0x0], $0xffff  }
0x166: {  	v23 =	vld.idx.msk [tilespmem:v62+s11+$0x0], $0xffff;
	v24 =	vmul.f32 v61, v59;
	v3 =	vadd.f32 v20, v3  }
0x167: {  	v26 =	vor.u32 $0xC, v2;
	v25 =	vld.idx.msk [tilespmem:v62+s19+$0x0], $0xffff  }
0x168: {  	v27 =	vld.idx.msk [tilespmem:v18+s11+$0x0], $0xffff;
	v28 =	vmul.f32 v17, v63;
	v3 =	vadd.f32 v24, v3  }
0x169: {  	v30 =	vor.u32 $0xD, v2;
	v29 =	vld.idx.msk [tilespmem:v18+s19+$0x0], $0xffff  }
0x16a: {  	v31 =	vld.idx.msk [tilespmem:v22+s11+$0x0], $0xffff;
	v32 =	vmul.f32 v21, v19;
	v3 =	vadd.f32 v28, v3  }
0x16b: {  	v34 =	vor.u32 $0xE, v2;
	v33 =	vld.idx.msk [tilespmem:v22+s19+$0x0], $0xffff  }
0x16c: {  	v35 =	vld.idx.msk [tilespmem:v26+s11+$0x0], $0xffff;
	v36 =	vmul.f32 v25, v23;
	v3 =	vadd.f32 v32, v3  }
0x16d: {  	v38 =	vor.u32 $0xF, v2;
	v37 =	vld.idx.msk [tilespmem:v26+s19+$0x0], $0xffff  }
0x16e: {  	v39 =	vld.idx.msk [tilespmem:v30+s11+$0x0], $0xffff;
	v40 =	vmul.f32 v29, v27;
	v3 =	vadd.f32 v36, v3  }
0x16f: {  	v42 =	vor.u32 $0x10, v2;
	v41 =	vld.idx.msk [tilespmem:v30+s19+$0x0], $0xffff  }
0x170: {  	v43 =	vld.idx.msk [tilespmem:v34+s11+$0x0], $0xffff;
	v44 =	vmul.f32 v33, v31;
	v3 =	vadd.f32 v40, v3  }
0x171: {  	v46 =	vor.u32 $0x11, v2;
	v45 =	vld.idx.msk [tilespmem:v34+s19+$0x0], $0xffff  }
0x172: {  	v47 =	vld.idx.msk [tilespmem:v38+s11+$0x0], $0xffff;
	v48 =	vmul.f32 v37, v35;
	v3 =	vadd.f32 v44, v3  }
0x173: {  	v50 =	vor.u32 $0x12, v2;
	v49 =	vld.idx.msk [tilespmem:v38+s19+$0x0], $0xffff  }
0x174: {  	v51 =	vld.idx.msk [tilespmem:v42+s11+$0x0], $0xffff;
	v52 =	vmul.f32 v41, v39;
	v3 =	vadd.f32 v48, v3  }
0x175: {  	v53 =	vld.idx.msk [tilespmem:v42+s19+$0x0], $0xffff;
	v54 =	vor.u32 $0x13, v2  }
0x176: {  	v55 =	vld.idx.msk [tilespmem:v46+s11+$0x0], $0xffff;
	v56 =	vmul.f32 v45, v43;
	v3 =	vadd.f32 v52, v3  }
0x177: {  	v58 =	vor.u32 $0x14, v2;
	v57 =	vld.idx.msk [tilespmem:v46+s19+$0x0], $0xffff  }
0x178: {  	v59 =	vld.idx.msk [tilespmem:v50+s11+$0x0], $0xffff;
	v60 =	vmul.f32 v49, v47;
	v3 =	vadd.f32 v56, v3  }
0x179: {  	v62 =	vor.u32 $0x15, v2;
	v61 =	vld.idx.msk [tilespmem:v50+s19+$0x0], $0xffff  }
0x17a: {  	v63 =	vld.idx.msk [tilespmem:v54+s11+$0x0], $0xffff;
	v16 =	vmul.f32 v53, v51;
	v3 =	vadd.f32 v60, v3  }
0x17b: {  	v18 =	vor.u32 $0x16, v2;
	v17 =	vld.idx.msk [tilespmem:v54+s19+$0x0], $0xffff  }
0x17c: {  	v19 =	vld.idx.msk [tilespmem:v58+s11+$0x0], $0xffff;
	v20 =	vmul.f32 v57, v55;
	v3 =	vadd.f32 v16, v3  }
0x17d: {  	v22 =	vor.u32 $0x17, v2;
	v21 =	vld.idx.msk [tilespmem:v58+s19+$0x0], $0xffff  }
0x17e: {  	v23 =	vld.idx.msk [tilespmem:v62+s11+$0x0], $0xffff;
	v24 =	vmul.f32 v61, v59;
	v3 =	vadd.f32 v20, v3  }
0x17f: {  	v26 =	vor.u32 $0x18, v2;
	v25 =	vld.idx.msk [tilespmem:v62+s19+$0x0], $0xffff  }
0x180: {  	v27 =	vld.idx.msk [tilespmem:v18+s11+$0x0], $0xffff;
	v28 =	vmul.f32 v17, v63;
	v3 =	vadd.f32 v24, v3  }
0x181: {  	v30 =	vor.u32 $0x19, v2;
	v29 =	vld.idx.msk [tilespmem:v18+s19+$0x0], $0xffff  }
0x182: {  	v31 =	vld.idx.msk [tilespmem:v22+s11+$0x0], $0xffff;
	v32 =	vmul.f32 v21, v19;
	v3 =	vadd.f32 v28, v3  }
0x183: {  	v34 =	vor.u32 $0x1A, v2;
	v33 =	vld.idx.msk [tilespmem:v22+s19+$0x0], $0xffff  }
0x184: {  	v35 =	vld.idx.msk [tilespmem:v26+s11+$0x0], $0xffff;
	v36 =	vmul.f32 v25, v23;
	v3 =	vadd.f32 v32, v3  }
0x185: {  	v38 =	vor.u32 $0x1B, v2;
	v37 =	vld.idx.msk [tilespmem:v26+s19+$0x0], $0xffff  }
0x186: {  	v39 =	vld.idx.msk [tilespmem:v30+s11+$0x0], $0xffff;
	v40 =	vmul.f32 v29, v27;
	v3 =	vadd.f32 v36, v3  }
0x187: {  	v42 =	vor.u32 $0x1C, v2;
	v41 =	vld.idx.msk [tilespmem:v30+s19+$0x0], $0xffff  }
0x188: {  	v43 =	vld.idx.msk [tilespmem:v34+s11+$0x0], $0xffff;
	v44 =	vmul.f32 v33, v31;
	v3 =	vadd.f32 v40, v3  }
0x189: {  	v46 =	vor.u32 $0x1D, v2;
	v45 =	vld.idx.msk [tilespmem:v34+s19+$0x0], $0xffff  }
0x18a: {  	v47 =	vld.idx.msk [tilespmem:v38+s11+$0x0], $0xffff;
	v48 =	vmul.f32 v37, v35;
	v3 =	vadd.f32 v44, v3  }
0x18b: {  	v50 =	vor.u32 $0x1E, v2;
	v49 =	vld.idx.msk [tilespmem:v38+s19+$0x0], $0xffff  }
0x18c: {  	v51 =	vld.idx.msk [tilespmem:v42+s11+$0x0], $0xffff;
	v52 =	vmul.f32 v41, v39;
	v3 =	vadd.f32 v48, v3  }
0x18d: {  	v2 =	vor.u32 $0x1F, v2;
	v53 =	vld.idx.msk [tilespmem:v42+s19+$0x0], $0xffff  }
0x18e: {  	v54 =	vld.idx.msk [tilespmem:v46+s11+$0x0], $0xffff;
	v55 =	vmul.f32 v45, v43;
	v3 =	vadd.f32 v52, v3  }
0x18f: {  	v56 =	vld.idx.msk [tilespmem:v46+s19+$0x0], $0xffff  }
0x190: {  	v57 =	vld.idx.msk [tilespmem:v50+s11+$0x0], $0xffff;
	v58 =	vmul.f32 v49, v47;
	v3 =	vadd.f32 v55, v3  }
0x191: {  	v59 =	vld.idx.msk [tilespmem:v50+s19+$0x0], $0xffff  }
0x192: {  	v61 =	vmul.f32 v53, v51;
	v60 =	vld.idx.msk [tilespmem:v2+s11+$0x0], $0xffff;
	v3 =	vadd.f32 v58, v3  }
0x193: {  	v2 =	vld.idx.msk [tilespmem:v2+s19+$0x0], $0xffff  }
0x194: {  	v62 =	vmul.f32 v56, v54;
	v3 =	vadd.f32 v61, v3;
	_ =	sdelay $0x1  }
0x195: {  	v63 =	vmul.f32 v59, v57;
	v3 =	vadd.f32 v62, v3;
	_ =	sdelay $0x1  }
0x196: {  	v2 =	vmul.f32 v2, v60;
	v3 =	vadd.f32 v63, v3;
	_ =	sdelay $0x1  }
0x197: {  	v2 =	vadd.f32 v2, v3;
	_ =	sdelay $0x1  }
0x198: {  	v2 =	vsub.f32 $0.0e+00, v2;
	_ =	sdelay $0x1  }
0x199: {  	v2 =	vmul.f32 $1.442695020e+00, v2;
	_ =	sdelay $0x1  }
0x19a: {  	(erf) = vpow2.f32 v2;
	_ =	sdelay $0x8  }
0x19b: {  	v2 =	vpop (erf)  }
0x19c: {  	v2 =	vadd.f32 $1.000000000e+00, v2;
	_ =	sdelay $0x1  }
0x19d: {  	(erf) = vrcp.f32 v2;
	_ =	sdelay $0x7  }
0x19e: {  	s29 =	sadd.s32 $0x1, s29  }
0x19f: {  	s0 =	sadd.s32 $0x10, s30;
	p0 =	sne.s32 s29, s7;
	v2 =	vpop (erf)  }
.Ltmp2:
0x1a0: {  	[tilespmem:s0+$0x0] =	vst v2;
	(pc) =	sbr.rel @p0 .LBB2_1-.Ltmp2, $4  }
0x1a1: {  	[hbm4b:s6+s2] =	stream.linear.scatter [tilespmem:s28], [sflag:$0x2], $0x200, $0x38;
	[tilespmem:$0x9600] =	vst v63  }
0x1a2: {  	_ =	swait.ge [sflag:s8], $0x200  }
0x1a3: {  	[sflag:s8] =	ssyncset.done $0x0  }
0x1a4: {  	[sflag:s8] =	ssyncadd.s32 $0xFFFFFE00  }
0x1a5: {  	_ =	sfence.sel $0x180000  }
0x1a6: {  	[bflag:$0x0] =	sbarrier.arrive $0xFFFF  }
0x1a7: {  	_ =	strace $0x90000047  }
0x1a8: {  	[bflag:$0x2] =	sbarrier.arrive $0xFFFF  }
0x1a9: {  	p0 =	sne.s32 s1, $0x0;
	s0 =	rddreg [dreg:$0x2]  }
0x1aa: {  	s0 =	sadd.s32 @!p0 $0x100000, s0  }
0x1ab: {  	[sflag:s0] =	ssyncadd.tile.s32 @!p0 $0x1;
	_ =	shalt  }
.Lfunc_end2:
_tile_overlayer_lowered:
.L_overlay_start_2:
0x1ac: {  	(tag) =	ssettag $0x2  }
0x1ad: {  	s0 =	rddreg [dreg:$0x0];
	s2 =	stileid.u32  }
0x1ae: {  	s1 =	rddreg [dreg:$0x1];
	p0 =	sne.s32 s2, $0x0  }
0x1af: {  	s3 =	rddreg [dreg:$0x2];
	[bflag:$0x3] =	sbarrier.arrive $0xFFFF;
	s2 =	simm.s32 @!p0 $0x1C02  }
0x1b0: {  	[timem:s3], [sflag:s2] =	dma.local @!p0 [hbm:s0], s1  }
0x1b1: {  	s0 =	simm.s32 @!p0 $0x2  }
0x1b2: {  	_ =	swait.ge @!p0 [sflag:s0], s1  }
0x1b3: {  	s1 =	ssub.s32 @!p0 $0x0, s1;
	[sflag:s0] =	ssyncset.done @!p0 $0x0  }
0x1b4: {  	[sflag:s0] =	ssyncadd.s32 @!p0 s1  }
0x1b5: {  	[bflag:$0x3] =	sbarrier.arrive $0xFFFF  }
0x1b6: {  	_ =	shalt  }

</sc_bundles>
